<compile_context>
chip_gen: v7x
topology: tpu7x:2x2x1
jax: 0.10.2.dev20260603
libtpu: 0.0.44.dev20260713+nightly
codegen_flags: <defaults>
</compile_context>

<pallas_src>
import functools

import jax
import jax.numpy as jnp
from jax import lax
from jax.experimental import pallas as pl
from jax.experimental.pallas import tpu as pltpu
from jax.experimental.pallas import tpu_sc as plsc

N_NODES = 100000
N_NODES_PAD = 102400
N_EDGES = 6400000
NUM_WORKERS = 32
EDGES_PER_TILE = N_EDGES // NUM_WORKERS
CHUNK = 4000
N_CHUNKS = EDGES_PER_TILE // CHUNK
N_PAIRS = N_CHUNKS // 2


def _sigmoid_body(x_ref, o_ref):
    o_ref[...] = 1.0 / (1.0 + jnp.exp(-x_ref[...]))


def _node_sigmoid(logits):
    x = jnp.pad(logits.reshape(-1), (0, N_NODES_PAD - N_NODES))
    y = pl.pallas_call(
        _sigmoid_body,
        out_shape=jax.ShapeDtypeStruct((N_NODES_PAD // 128, 128), jnp.float32),
    )(x.reshape(N_NODES_PAD // 128, 128))
    return y.reshape(-1)


_mesh = plsc.VectorSubcoreMesh(core_axis_name="c", subcore_axis_name="s")


@functools.partial(
    pl.kernel,
    mesh=_mesh,
    compiler_params=pltpu.CompilerParams(
        use_tc_tiling_on_sc=False, needs_layout_passes=False
    ),
    out_type=jax.ShapeDtypeStruct((N_EDGES,), jnp.float32),
    scratch_types=[
        pltpu.VMEM((N_NODES_PAD,), jnp.float32),
        pltpu.VMEM((2, 2, CHUNK), jnp.int32),
        pltpu.VMEM((2, CHUNK), jnp.float32),
        pltpu.SemaphoreType.DMA,
        pltpu.SemaphoreType.DMA,
        pltpu.SemaphoreType.DMA,
        pltpu.SemaphoreType.DMA,
    ],
)
def _edge_attn_sc(
    table_hbm, ei_hbm, out_hbm,
    table_v, pair_v, out_v,
    sin0, sin1, sout0, sout1,
):
    wid = lax.axis_index("s") * 2 + lax.axis_index("c")
    base = wid * EDGES_PER_TILE
    sin = (sin0, sin1)
    sout = (sout0, sout1)

    def start_in(c, b):
        off = base + c * CHUNK
        pltpu.async_copy(ei_hbm.at[:, pl.ds(off, CHUNK)], pair_v.at[b], sin[b])

    def wait_in(b):
        pltpu.make_async_copy(
            ei_hbm.at[:, pl.ds(0, CHUNK)], pair_v.at[b], sin[b]
        ).wait()

    def start_out(c, b):
        off = base + c * CHUNK
        pltpu.async_copy(out_v.at[b], out_hbm.at[pl.ds(off, CHUNK)], sout[b])

    def wait_out(b):
        pltpu.make_async_copy(
            out_v.at[b], out_hbm.at[pl.ds(0, CHUNK)], sout[b]
        ).wait()

    start_in(0, 0)
    start_in(1, 1)
    pltpu.sync_copy(table_hbm, table_v)

    def pair_body(p, carry):
        for b in range(2):
            c = p * 2 + b
            wait_in(b)

            @pl.when(p > 0)
            def _():
                wait_out(b)

            sv = pair_v.at[b, 0]
            dv = pair_v.at[b, 1]
            ov = out_v.at[b]

            @plsc.parallel_loop(0, CHUNK, step=16, unroll=8)
            def _(i):
                s_idx = sv[pl.ds(i, 16)]
                d_idx = dv[pl.ds(i, 16)]
                vs = plsc.load_gather(table_v, [s_idx])
                vd = plsc.load_gather(table_v, [d_idx])
                ov[pl.ds(i, 16)] = vs * vd

            start_out(c, b)

            @pl.when(p < N_PAIRS - 1)
            def _():
                start_in(c + 2, b)

        return carry

    lax.fori_loop(0, N_PAIRS, pair_body, 0)
    wait_out(0)
    wait_out(1)


def kernel(node_attn_log_logits, edge_index):
    table = _node_sigmoid(node_attn_log_logits)
    out = _edge_attn_sc(table, edge_index.astype(jnp.int32))
    return out.reshape(N_EDGES, 1)

# --- scband reference (transcript-rebuilt; emitter-appended) ---
"""Pipeline reference for scband-lribern-51067161149946 (READ-ONLY COPY).

The authoritative reference and input builder live on the scoring server;
editing this copy changes nothing except your own understanding.
"""

import jax, jax.numpy as jnp
import numpy as np

N_NODES = 100000
N_EDGES = 6400000


def setup_inputs(seed: int = 0) -> dict:
    key = jax.random.key(seed)
    k1, k2 = jax.random.split(key)
    node_attn_log_logits = jax.random.normal(k1, (N_NODES, 1), dtype=jnp.float32)
    edge_index = jax.random.randint(k2, (2, N_EDGES), 0, N_NODES, dtype=jnp.int64)
    return {"node_attn_log_logits": node_attn_log_logits, "edge_index": edge_index}


def reference(node_attn_log_logits, edge_index):
    # LRIBern non-warmup attention path with attn_constraint='none' and
    # do_sampling=False (deterministic eval path of `sampling`):
    #   node_attn = sigmoid(node_attn_log_logits)
    node_attn = jax.nn.sigmoid(node_attn_log_logits)
    # node_attn_to_edge_attn: gather per-node attention to src/dst of each edge
    src_attn = jnp.take(node_attn, edge_index[0], axis=0)
    dst_attn = jnp.take(node_attn, edge_index[1], axis=0)
    edge_attn = src_attn * dst_attn
    return edge_attn

if __name__ == "__main__":
    import jax
    _d = setup_inputs()
    print(jax.jit(kernel)(*tuple(_d.values())))

</pallas_src>

<mosaic_0001>
#map = affine_map<(d0, d1) -> (0)>
#map1 = affine_map<(d0, d1) -> (0, 0)>
module attributes {stable_mosaic.version = 14 : i64} {
  func.func @_edge_attn_sc(%arg0: i32, %arg1: i32, %arg2: memref<102400xf32, #tpu.memory_space<hbm>>, %arg3: memref<2x6400000xi32, #tpu.memory_space<hbm>>, %arg4: memref<6400000xf32, #tpu.memory_space<hbm>>, %arg5: memref<102400xf32, #tpu.memory_space<vmem>>, %arg6: memref<2x2x4000xi32, #tpu.memory_space<vmem>>, %arg7: memref<2x4000xf32, #tpu.memory_space<vmem>>, %arg8: memref<!tpu.dma_semaphore, #tpu.memory_space<semaphore_mem>>, %arg9: memref<!tpu.dma_semaphore, #tpu.memory_space<semaphore_mem>>, %arg10: memref<!tpu.dma_semaphore, #tpu.memory_space<semaphore_mem>>, %arg11: memref<!tpu.dma_semaphore, #tpu.memory_space<semaphore_mem>>) attributes {dimension_semantics = [#tpu.dimension_semantics<core_parallel>, #tpu.dimension_semantics<subcore_parallel>], iteration_bounds = array<i64: 2, 16>, scalar_prefetch = 0 : i64, scratch_operands = 7 : i64, tpu.core_type = #tpu.core_type<sc_vector_subcore>, window_params = [{transform_indices = #map}, {transform_indices = #map1}, {transform_indices = #map}]} {
    %mul3A = arith.constant 2 : i32
    %mul3A_0 = arith.muli %arg1, %mul3A : i32
    %add3A = arith.addi %mul3A_0, %arg0 : i32
    %mul3A_1 = arith.constant 200000 : i32
    %mul3A_2 = arith.muli %add3A, %mul3A_1 : i32
    %add3A_3 = arith.constant 0 : i32
    %add3A_4 = arith.addi %mul3A_2, %add3A_3 : i32
    %dma_start3A = arith.constant 0 : i32
    %dma_start3A_5 = arith.constant 0 : i32
    %dma_start3A_6 = arith.constant 0 : i32
    %dma_start3A_7 = tpu.memref_slice %arg6[%dma_start3A, %dma_start3A_5, %dma_start3A_6] : memref<2x2x4000xi32, #tpu.memory_space<vmem>> -> memref<1x2x4000xi32, #tpu.memory_space<vmem>>
    %dma_start3A_8 = tpu.memref_squeeze %dma_start3A_7 : memref<1x2x4000xi32, #tpu.memory_space<vmem>> -> memref<2x4000xi32, #tpu.memory_space<vmem>>
    %dma_start3A_9 = arith.constant 0 : i32
    %dma_start3A_10 = tpu.memref_slice %arg3[%dma_start3A_9, %add3A_4] : memref<2x6400000xi32, #tpu.memory_space<hbm>> -> memref<2x4000xi32, #tpu.memory_space<hbm>>
    %dma_start3A_11 = arith.constant 0 : i32
    %dma_start3A_12 = arith.constant 0 : i32
    %dma_start3A_13 = tpu.memref_slice %arg6[%dma_start3A, %dma_start3A_11, %dma_start3A_12] : memref<2x2x4000xi32, #tpu.memory_space<vmem>> -> memref<1x2x4000xi32, #tpu.memory_space<vmem>>
    %dma_start3A_14 = tpu.memref_squeeze %dma_start3A_13 : memref<1x2x4000xi32, #tpu.memory_space<vmem>> -> memref<2x4000xi32, #tpu.memory_space<vmem>>
    %dma_start3A_15 = arith.constant 0 : i32
    %dma_start3A_16 = tpu.memref_slice %arg3[%dma_start3A_15, %add3A_4] : memref<2x6400000xi32, #tpu.memory_space<hbm>> -> memref<2x4000xi32, #tpu.memory_space<hbm>>
    tpu.enqueue_dma source(%dma_start3A_16 : memref<2x4000xi32, #tpu.memory_space<hbm>>) target(%dma_start3A_14 : memref<2x4000xi32, #tpu.memory_space<vmem>>) target_semaphore(%arg8 : memref<!tpu.dma_semaphore, #tpu.memory_space<semaphore_mem>>)
    %add3A_17 = arith.constant 4000 : i32
    %add3A_18 = arith.addi %mul3A_2, %add3A_17 : i32
    %dma_start3A_19 = arith.constant 1 : i32
    %dma_start3A_20 = arith.constant 0 : i32
    %dma_start3A_21 = arith.constant 0 : i32
    %dma_start3A_22 = tpu.memref_slice %arg6[%dma_start3A_19, %dma_start3A_20, %dma_start3A_21] : memref<2x2x4000xi32, #tpu.memory_space<vmem>> -> memref<1x2x4000xi32, #tpu.memory_space<vmem>>
    %dma_start3A_23 = tpu.memref_squeeze %dma_start3A_22 : memref<1x2x4000xi32, #tpu.memory_space<vmem>> -> memref<2x4000xi32, #tpu.memory_space<vmem>>
    %dma_start3A_24 = arith.constant 0 : i32
    %dma_start3A_25 = tpu.memref_slice %arg3[%dma_start3A_24, %add3A_18] : memref<2x6400000xi32, #tpu.memory_space<hbm>> -> memref<2x4000xi32, #tpu.memory_space<hbm>>
    %dma_start3A_26 = arith.constant 0 : i32
    %dma_start3A_27 = arith.constant 0 : i32
    %dma_start3A_28 = tpu.memref_slice %arg6[%dma_start3A_19, %dma_start3A_26, %dma_start3A_27] : memref<2x2x4000xi32, #tpu.memory_space<vmem>> -> memref<1x2x4000xi32, #tpu.memory_space<vmem>>
    %dma_start3A_29 = tpu.memref_squeeze %dma_start3A_28 : memref<1x2x4000xi32, #tpu.memory_space<vmem>> -> memref<2x4000xi32, #tpu.memory_space<vmem>>
    %dma_start3A_30 = arith.constant 0 : i32
    %dma_start3A_31 = tpu.memref_slice %arg3[%dma_start3A_30, %add3A_18] : memref<2x6400000xi32, #tpu.memory_space<hbm>> -> memref<2x4000xi32, #tpu.memory_space<hbm>>
    tpu.enqueue_dma source(%dma_start3A_31 : memref<2x4000xi32, #tpu.memory_space<hbm>>) target(%dma_start3A_29 : memref<2x4000xi32, #tpu.memory_space<vmem>>) target_semaphore(%arg9 : memref<!tpu.dma_semaphore, #tpu.memory_space<semaphore_mem>>)
    "tpu.region"() ({
      %run_scoped3A = tpu.sem_alloc : memref<!tpu.dma_semaphore, #tpu.memory_space<semaphore_mem>>
      tpu.enqueue_dma source(%arg2 : memref<102400xf32, #tpu.memory_space<hbm>>) target(%arg5 : memref<102400xf32, #tpu.memory_space<vmem>>) target_semaphore(%run_scoped3A : memref<!tpu.dma_semaphore, #tpu.memory_space<semaphore_mem>>)
      tpu.wait_dma2 semaphore(%run_scoped3A : memref<!tpu.dma_semaphore, #tpu.memory_space<semaphore_mem>>) src(%arg2 : memref<102400xf32, #tpu.memory_space<hbm>>) dst(%arg5 : memref<102400xf32, #tpu.memory_space<vmem>>)
      tpu.yield
    }) : () -> ()
    %scan3A = arith.constant 0 : i32
    %scan3A_32 = arith.constant 0 : i32
    %scan3A_33 = arith.constant 25 : i32
    %scan3A_34 = arith.addi %scan3A_32, %scan3A_33 : i32
    %scan3A_35 = arith.constant 1 : i32
    scf.for %scan3A_58 = %scan3A_32 to %scan3A_34 step %scan3A_35  : i32 {
      %mul3A_59 = arith.constant 2 : i32
      %mul3A_60 = arith.muli %scan3A_58, %mul3A_59 : i32
      %add3A_61 = arith.constant 0 : i32
      %add3A_62 = arith.addi %mul3A_60, %add3A_61 : i32
      %dma_wait3A_63 = arith.constant 0 : i32
      %dma_wait3A_64 = arith.constant 0 : i32
      %dma_wait3A_65 = arith.constant 0 : i32
      %dma_wait3A_66 = tpu.memref_slice %arg6[%dma_wait3A_63, %dma_wait3A_64, %dma_wait3A_65] : memref<2x2x4000xi32, #tpu.memory_space<vmem>> -> memref<1x2x4000xi32, #tpu.memory_space<vmem>>
      %dma_wait3A_67 = tpu.memref_squeeze %dma_wait3A_66 : memref<1x2x4000xi32, #tpu.memory_space<vmem>> -> memref<2x4000xi32, #tpu.memory_space<vmem>>
      %dma_wait3A_68 = arith.constant 0 : i32
      %dma_wait3A_69 = arith.constant 0 : i32
      %dma_wait3A_70 = tpu.memref_slice %arg3[%dma_wait3A_68, %dma_wait3A_69] : memref<2x6400000xi32, #tpu.memory_space<hbm>> -> memref<2x4000xi32, #tpu.memory_space<hbm>>
      %dma_wait3A_71 = arith.constant 0 : i32
      %dma_wait3A_72 = arith.constant 0 : i32
      %dma_wait3A_73 = tpu.memref_slice %arg6[%dma_wait3A_63, %dma_wait3A_71, %dma_wait3A_72] : memref<2x2x4000xi32, #tpu.memory_space<vmem>> -> memref<1x2x4000xi32, #tpu.memory_space<vmem>>
      %dma_wait3A_74 = tpu.memref_squeeze %dma_wait3A_73 : memref<1x2x4000xi32, #tpu.memory_space<vmem>> -> memref<2x4000xi32, #tpu.memory_space<vmem>>
      %dma_wait3A_75 = arith.constant 0 : i32
      %dma_wait3A_76 = arith.constant 0 : i32
      %dma_wait3A_77 = tpu.memref_slice %arg3[%dma_wait3A_75, %dma_wait3A_76] : memref<2x6400000xi32, #tpu.memory_space<hbm>> -> memref<2x4000xi32, #tpu.memory_space<hbm>>
      tpu.wait_dma2 semaphore(%arg8 : memref<!tpu.dma_semaphore, #tpu.memory_space<semaphore_mem>>) src(%dma_wait3A_77 : memref<2x4000xi32, #tpu.memory_space<hbm>>) dst(%dma_wait3A_74 : memref<2x4000xi32, #tpu.memory_space<vmem>>)
      %gt3A = arith.constant 0 : i32
      %gt3A_78 = arith.cmpi sgt, %scan3A_58, %gt3A : i32
      %convert_element_type3A = arith.extui %gt3A_78 : i1 to i32
      %cond3A = arith.constant 0 : i32
      %cond3A_79 = arith.cmpi ne, %convert_element_type3A, %cond3A : i32
      scf.if %cond3A_79 {
        %dma_wait3A_152 = arith.constant 0 : i32
        %dma_wait3A_153 = arith.constant 0 : i32
        %dma_wait3A_154 = tpu.memref_slice %arg7[%dma_wait3A_152, %dma_wait3A_153] : memref<2x4000xf32, #tpu.memory_space<vmem>> -> memref<1x4000xf32, #tpu.memory_space<vmem>>
        %dma_wait3A_155 = tpu.memref_squeeze %dma_wait3A_154 : memref<1x4000xf32, #tpu.memory_space<vmem>> -> memref<4000xf32, #tpu.memory_space<vmem>>
        %dma_wait3A_156 = arith.constant 0 : i32
        %dma_wait3A_157 = tpu.memref_slice %arg4[%dma_wait3A_156] : memref<6400000xf32, #tpu.memory_space<hbm>> -> memref<4000xf32, #tpu.memory_space<hbm>>
        %dma_wait3A_158 = arith.constant 0 : i32
        %dma_wait3A_159 = tpu.memref_slice %arg4[%dma_wait3A_158] : memref<6400000xf32, #tpu.memory_space<hbm>> -> memref<4000xf32, #tpu.memory_space<hbm>>
        %dma_wait3A_160 = arith.constant 0 : i32
        %dma_wait3A_161 = tpu.memref_slice %arg7[%dma_wait3A_152, %dma_wait3A_160] : memref<2x4000xf32, #tpu.memory_space<vmem>> -> memref<1x4000xf32, #tpu.memory_space<vmem>>
        %dma_wait3A_162 = tpu.memref_squeeze %dma_wait3A_161 : memref<1x4000xf32, #tpu.memory_space<vmem>> -> memref<4000xf32, #tpu.memory_space<vmem>>
        tpu.wait_dma2 semaphore(%arg10 : memref<!tpu.dma_semaphore, #tpu.memory_space<semaphore_mem>>) src(%dma_wait3A_162 : memref<4000xf32, #tpu.memory_space<vmem>>) dst(%dma_wait3A_159 : memref<4000xf32, #tpu.memory_space<hbm>>)
      } else {
      }
      %parallel_loop3A = arith.constant 0 : i32
      %parallel_loop3A_80 = arith.constant 4000 : i32
      %parallel_loop3A_81 = arith.constant 16 : i32
      %parallel_loop3A_82 = arith.constant 0 : i32
      %parallel_loop3A_83 = arith.constant 0 : i32
      %parallel_loop3A_84 = arith.constant 0 : i32
      %parallel_loop3A_85 = arith.constant 1 : i32
      %parallel_loop3A_86 = arith.constant 0 : i32
      scf.for %parallel_loop3A_152 = %parallel_loop3A to %parallel_loop3A_80 step %parallel_loop3A_81  : i32 {
        %parallel_loop3A_153 = arith.constant 0 : i32
        %parallel_loop3A_154 = tpu.memref_slice %arg6[%parallel_loop3A_82, %parallel_loop3A_83, %parallel_loop3A_153] : memref<2x2x4000xi32, #tpu.memory_space<vmem>> -> memref<1x1x4000xi32, #tpu.memory_space<vmem>>
        %parallel_loop3A_155 = tpu.memref_squeeze %parallel_loop3A_154 : memref<1x1x4000xi32, #tpu.memory_space<vmem>> -> memref<4000xi32, #tpu.memory_space<vmem>>
        %parallel_loop3A_156 = arith.index_cast %parallel_loop3A_152 : i32 to index
        %parallel_loop3A_157 = tpu.vector_load %parallel_loop3A_155[%parallel_loop3A_156] {strides = array<i32>} : memref<4000xi32, #tpu.memory_space<vmem>>, vector<16xi32>,
        %parallel_loop3A_158 = arith.constant 0 : i32
        %parallel_loop3A_159 = tpu.memref_slice %arg6[%parallel_loop3A_84, %parallel_loop3A_85, %parallel_loop3A_158] : memref<2x2x4000xi32, #tpu.memory_space<vmem>> -> memref<1x1x4000xi32, #tpu.memory_space<vmem>>
        %parallel_loop3A_160 = tpu.memref_squeeze %parallel_loop3A_159 : memref<1x1x4000xi32, #tpu.memory_space<vmem>> -> memref<4000xi32, #tpu.memory_space<vmem>>
        %parallel_loop3A_161 = arith.index_cast %parallel_loop3A_152 : i32 to index
        %parallel_loop3A_162 = tpu.vector_load %parallel_loop3A_160[%parallel_loop3A_161] {strides = array<i32>} : memref<4000xi32, #tpu.memory_space<vmem>>, vector<16xi32>,
        %parallel_loop3A_163 = tpu.vector_load_idx %arg5[%parallel_loop3A_157] : memref<102400xf32, #tpu.memory_space<vmem>>[vector<16xi32>], vector<16xf32>,
        %parallel_loop3A_164 = tpu.vector_load_idx %arg5[%parallel_loop3A_162] : memref<102400xf32, #tpu.memory_space<vmem>>[vector<16xi32>], vector<16xf32>,
        %parallel_loop3A_165 = arith.mulf %parallel_loop3A_163, %parallel_loop3A_164 : vector<16xf32>
        %parallel_loop3A_166 = arith.constant 0 : i32
        %parallel_loop3A_167 = tpu.memref_slice %arg7[%parallel_loop3A_86, %parallel_loop3A_166] : memref<2x4000xf32, #tpu.memory_space<vmem>> -> memref<1x4000xf32, #tpu.memory_space<vmem>>
        %parallel_loop3A_168 = tpu.memref_squeeze %parallel_loop3A_167 : memref<1x4000xf32, #tpu.memory_space<vmem>> -> memref<4000xf32, #tpu.memory_space<vmem>>
        %parallel_loop3A_169 = arith.index_cast %parallel_loop3A_152 : i32 to index
        %parallel_loop3A_170 = tpu.vector_load %parallel_loop3A_168[%parallel_loop3A_169] {strides = array<i32>} : memref<4000xf32, #tpu.memory_space<vmem>>, vector<16xf32>,
        tpu.vector_store %parallel_loop3A_168[%parallel_loop3A_169], %parallel_loop3A_165 {strides = array<i32>} : memref<4000xf32, #tpu.memory_space<vmem>>, vector<16xf32>,
      } {sc.loop_unroll_factor = 8 : i64, sc.parallel_access}
      %mul3A_87 = arith.constant 4000 : i32
      %mul3A_88 = arith.muli %add3A_62, %mul3A_87 : i32
      %add3A_89 = arith.addi %mul3A_2, %mul3A_88 : i32
      %dma_start3A_90 = arith.constant 0 : i32
      %dma_start3A_91 = arith.constant 0 : i32
      %dma_start3A_92 = tpu.memref_slice %arg7[%dma_start3A_90, %dma_start3A_91] : memref<2x4000xf32, #tpu.memory_space<vmem>> -> memref<1x4000xf32, #tpu.memory_space<vmem>>
      %dma_start3A_93 = tpu.memref_squeeze %dma_start3A_92 : memref<1x4000xf32, #tpu.memory_space<vmem>> -> memref<4000xf32, #tpu.memory_space<vmem>>
      %dma_start3A_94 = tpu.memref_slice %arg4[%add3A_89] : memref<6400000xf32, #tpu.memory_space<hbm>> -> memref<4000xf32, #tpu.memory_space<hbm>>
      %dma_start3A_95 = tpu.memref_slice %arg4[%add3A_89] : memref<6400000xf32, #tpu.memory_space<hbm>> -> memref<4000xf32, #tpu.memory_space<hbm>>
      %dma_start3A_96 = arith.constant 0 : i32
      %dma_start3A_97 = tpu.memref_slice %arg7[%dma_start3A_90, %dma_start3A_96] : memref<2x4000xf32, #tpu.memory_space<vmem>> -> memref<1x4000xf32, #tpu.memory_space<vmem>>
      %dma_start3A_98 = tpu.memref_squeeze %dma_start3A_97 : memref<1x4000xf32, #tpu.memory_space<vmem>> -> memref<4000xf32, #tpu.memory_space<vmem>>
      tpu.enqueue_dma source(%dma_start3A_98 : memref<4000xf32, #tpu.memory_space<vmem>>) target(%dma_start3A_95 : memref<4000xf32, #tpu.memory_space<hbm>>) target_semaphore(%arg10 : memref<!tpu.dma_semaphore, #tpu.memory_space<semaphore_mem>>)
      %lt3A = arith.constant 24 : i32
      %lt3A_99 = arith.cmpi slt, %scan3A_58, %lt3A : i32
      %convert_element_type3A_100 = arith.extui %lt3A_99 : i1 to i32
      %cond3A_101 = arith.constant 0 : i32
      %cond3A_102 = arith.cmpi ne, %convert_element_type3A_100, %cond3A_101 : i32
      scf.if %cond3A_102 {
        %add3A_152 = arith.constant 2 : i32
        %add3A_153 = arith.addi %add3A_62, %add3A_152 : i32
        %mul3A_154 = arith.constant 4000 : i32
        %mul3A_155 = arith.muli %add3A_153, %mul3A_154 : i32
        %add3A_156 = arith.addi %mul3A_2, %mul3A_155 : i32
        %dma_start3A_157 = arith.constant 0 : i32
        %dma_start3A_158 = arith.constant 0 : i32
        %dma_start3A_159 = arith.constant 0 : i32
        %dma_start3A_160 = tpu.memref_slice %arg6[%dma_start3A_157, %dma_start3A_158, %dma_start3A_159] : memref<2x2x4000xi32, #tpu.memory_space<vmem>> -> memref<1x2x4000xi32, #tpu.memory_space<vmem>>
        %dma_start3A_161 = tpu.memref_squeeze %dma_start3A_160 : memref<1x2x4000xi32, #tpu.memory_space<vmem>> -> memref<2x4000xi32, #tpu.memory_space<vmem>>
        %dma_start3A_162 = arith.constant 0 : i32
        %dma_start3A_163 = tpu.memref_slice %arg3[%dma_start3A_162, %add3A_156] : memref<2x6400000xi32, #tpu.memory_space<hbm>> -> memref<2x4000xi32, #tpu.memory_space<hbm>>
        %dma_start3A_164 = arith.constant 0 : i32
        %dma_start3A_165 = arith.constant 0 : i32
        %dma_start3A_166 = tpu.memref_slice %arg6[%dma_start3A_157, %dma_start3A_164, %dma_start3A_165] : memref<2x2x4000xi32, #tpu.memory_space<vmem>> -> memref<1x2x4000xi32, #tpu.memory_space<vmem>>
        %dma_start3A_167 = tpu.memref_squeeze %dma_start3A_166 : memref<1x2x4000xi32, #tpu.memory_space<vmem>> -> memref<2x4000xi32, #tpu.memory_space<vmem>>
        %dma_start3A_168 = arith.constant 0 : i32
        %dma_start3A_169 = tpu.memref_slice %arg3[%dma_start3A_168, %add3A_156] : memref<2x6400000xi32, #tpu.memory_space<hbm>> -> memref<2x4000xi32, #tpu.memory_space<hbm>>
        tpu.enqueue_dma source(%dma_start3A_169 : memref<2x4000xi32, #tpu.memory_space<hbm>>) target(%dma_start3A_167 : memref<2x4000xi32, #tpu.memory_space<vmem>>) target_semaphore(%arg8 : memref<!tpu.dma_semaphore, #tpu.memory_space<semaphore_mem>>)
      } else {
      }
      %mul3A_103 = arith.constant 2 : i32
      %mul3A_104 = arith.muli %scan3A_58, %mul3A_103 : i32
      %add3A_105 = arith.constant 1 : i32
      %add3A_106 = arith.addi %mul3A_104, %add3A_105 : i32
      %dma_wait3A_107 = arith.constant 1 : i32
      %dma_wait3A_108 = arith.constant 0 : i32
      %dma_wait3A_109 = arith.constant 0 : i32
      %dma_wait3A_110 = tpu.memref_slice %arg6[%dma_wait3A_107, %dma_wait3A_108, %dma_wait3A_109] : memref<2x2x4000xi32, #tpu.memory_space<vmem>> -> memref<1x2x4000xi32, #tpu.memory_space<vmem>>
      %dma_wait3A_111 = tpu.memref_squeeze %dma_wait3A_110 : memref<1x2x4000xi32, #tpu.memory_space<vmem>> -> memref<2x4000xi32, #tpu.memory_space<vmem>>
      %dma_wait3A_112 = arith.constant 0 : i32
      %dma_wait3A_113 = arith.constant 0 : i32
      %dma_wait3A_114 = tpu.memref_slice %arg3[%dma_wait3A_112, %dma_wait3A_113] : memref<2x6400000xi32, #tpu.memory_space<hbm>> -> memref<2x4000xi32, #tpu.memory_space<hbm>>
      %dma_wait3A_115 = arith.constant 0 : i32
      %dma_wait3A_116 = arith.constant 0 : i32
      %dma_wait3A_117 = tpu.memref_slice %arg6[%dma_wait3A_107, %dma_wait3A_115, %dma_wait3A_116] : memref<2x2x4000xi32, #tpu.memory_space<vmem>> -> memref<1x2x4000xi32, #tpu.memory_space<vmem>>
      %dma_wait3A_118 = tpu.memref_squeeze %dma_wait3A_117 : memref<1x2x4000xi32, #tpu.memory_space<vmem>> -> memref<2x4000xi32, #tpu.memory_space<vmem>>
      %dma_wait3A_119 = arith.constant 0 : i32
      %dma_wait3A_120 = arith.constant 0 : i32
      %dma_wait3A_121 = tpu.memref_slice %arg3[%dma_wait3A_119, %dma_wait3A_120] : memref<2x6400000xi32, #tpu.memory_space<hbm>> -> memref<2x4000xi32, #tpu.memory_space<hbm>>
      tpu.wait_dma2 semaphore(%arg9 : memref<!tpu.dma_semaphore, #tpu.memory_space<semaphore_mem>>) src(%dma_wait3A_121 : memref<2x4000xi32, #tpu.memory_space<hbm>>) dst(%dma_wait3A_118 : memref<2x4000xi32, #tpu.memory_space<vmem>>)
      %gt3A_122 = arith.constant 0 : i32
      %gt3A_123 = arith.cmpi sgt, %scan3A_58, %gt3A_122 : i32
      %convert_element_type3A_124 = arith.extui %gt3A_123 : i1 to i32
      %cond3A_125 = arith.constant 0 : i32
      %cond3A_126 = arith.cmpi ne, %convert_element_type3A_124, %cond3A_125 : i32
      scf.if %cond3A_126 {
        %dma_wait3A_152 = arith.constant 1 : i32
        %dma_wait3A_153 = arith.constant 0 : i32
        %dma_wait3A_154 = tpu.memref_slice %arg7[%dma_wait3A_152, %dma_wait3A_153] : memref<2x4000xf32, #tpu.memory_space<vmem>> -> memref<1x4000xf32, #tpu.memory_space<vmem>>
        %dma_wait3A_155 = tpu.memref_squeeze %dma_wait3A_154 : memref<1x4000xf32, #tpu.memory_space<vmem>> -> memref<4000xf32, #tpu.memory_space<vmem>>
        %dma_wait3A_156 = arith.constant 0 : i32
        %dma_wait3A_157 = tpu.memref_slice %arg4[%dma_wait3A_156] : memref<6400000xf32, #tpu.memory_space<hbm>> -> memref<4000xf32, #tpu.memory_space<hbm>>
        %dma_wait3A_158 = arith.constant 0 : i32
        %dma_wait3A_159 = tpu.memref_slice %arg4[%dma_wait3A_158] : memref<6400000xf32, #tpu.memory_space<hbm>> -> memref<4000xf32, #tpu.memory_space<hbm>>
        %dma_wait3A_160 = arith.constant 0 : i32
        %dma_wait3A_161 = tpu.memref_slice %arg7[%dma_wait3A_152, %dma_wait3A_160] : memref<2x4000xf32, #tpu.memory_space<vmem>> -> memref<1x4000xf32, #tpu.memory_space<vmem>>
        %dma_wait3A_162 = tpu.memref_squeeze %dma_wait3A_161 : memref<1x4000xf32, #tpu.memory_space<vmem>> -> memref<4000xf32, #tpu.memory_space<vmem>>
        tpu.wait_dma2 semaphore(%arg11 : memref<!tpu.dma_semaphore, #tpu.memory_space<semaphore_mem>>) src(%dma_wait3A_162 : memref<4000xf32, #tpu.memory_space<vmem>>) dst(%dma_wait3A_159 : memref<4000xf32, #tpu.memory_space<hbm>>)
      } else {
      }
      %parallel_loop3A_127 = arith.constant 0 : i32
      %parallel_loop3A_128 = arith.constant 4000 : i32
      %parallel_loop3A_129 = arith.constant 16 : i32
      %parallel_loop3A_130 = arith.constant 1 : i32
      %parallel_loop3A_131 = arith.constant 0 : i32
      %parallel_loop3A_132 = arith.constant 1 : i32
      %parallel_loop3A_133 = arith.constant 1 : i32
      %parallel_loop3A_134 = arith.constant 1 : i32
      scf.for %parallel_loop3A_152 = %parallel_loop3A_127 to %parallel_loop3A_128 step %parallel_loop3A_129  : i32 {
        %parallel_loop3A_153 = arith.constant 0 : i32
        %parallel_loop3A_154 = tpu.memref_slice %arg6[%parallel_loop3A_130, %parallel_loop3A_131, %parallel_loop3A_153] : memref<2x2x4000xi32, #tpu.memory_space<vmem>> -> memref<1x1x4000xi32, #tpu.memory_space<vmem>>
        %parallel_loop3A_155 = tpu.memref_squeeze %parallel_loop3A_154 : memref<1x1x4000xi32, #tpu.memory_space<vmem>> -> memref<4000xi32, #tpu.memory_space<vmem>>
        %parallel_loop3A_156 = arith.index_cast %parallel_loop3A_152 : i32 to index
        %parallel_loop3A_157 = tpu.vector_load %parallel_loop3A_155[%parallel_loop3A_156] {strides = array<i32>} : memref<4000xi32, #tpu.memory_space<vmem>>, vector<16xi32>,
        %parallel_loop3A_158 = arith.constant 0 : i32
        %parallel_loop3A_159 = tpu.memref_slice %arg6[%parallel_loop3A_132, %parallel_loop3A_133, %parallel_loop3A_158] : memref<2x2x4000xi32, #tpu.memory_space<vmem>> -> memref<1x1x4000xi32, #tpu.memory_space<vmem>>
        %parallel_loop3A_160 = tpu.memref_squeeze %parallel_loop3A_159 : memref<1x1x4000xi32, #tpu.memory_space<vmem>> -> memref<4000xi32, #tpu.memory_space<vmem>>
        %parallel_loop3A_161 = arith.index_cast %parallel_loop3A_152 : i32 to index
        %parallel_loop3A_162 = tpu.vector_load %parallel_loop3A_160[%parallel_loop3A_161] {strides = array<i32>} : memref<4000xi32, #tpu.memory_space<vmem>>, vector<16xi32>,
        %parallel_loop3A_163 = tpu.vector_load_idx %arg5[%parallel_loop3A_157] : memref<102400xf32, #tpu.memory_space<vmem>>[vector<16xi32>], vector<16xf32>,
        %parallel_loop3A_164 = tpu.vector_load_idx %arg5[%parallel_loop3A_162] : memref<102400xf32, #tpu.memory_space<vmem>>[vector<16xi32>], vector<16xf32>,
        %parallel_loop3A_165 = arith.mulf %parallel_loop3A_163, %parallel_loop3A_164 : vector<16xf32>
        %parallel_loop3A_166 = arith.constant 0 : i32
        %parallel_loop3A_167 = tpu.memref_slice %arg7[%parallel_loop3A_134, %parallel_loop3A_166] : memref<2x4000xf32, #tpu.memory_space<vmem>> -> memref<1x4000xf32, #tpu.memory_space<vmem>>
        %parallel_loop3A_168 = tpu.memref_squeeze %parallel_loop3A_167 : memref<1x4000xf32, #tpu.memory_space<vmem>> -> memref<4000xf32, #tpu.memory_space<vmem>>
        %parallel_loop3A_169 = arith.index_cast %parallel_loop3A_152 : i32 to index
        %parallel_loop3A_170 = tpu.vector_load %parallel_loop3A_168[%parallel_loop3A_169] {strides = array<i32>} : memref<4000xf32, #tpu.memory_space<vmem>>, vector<16xf32>,
        tpu.vector_store %parallel_loop3A_168[%parallel_loop3A_169], %parallel_loop3A_165 {strides = array<i32>} : memref<4000xf32, #tpu.memory_space<vmem>>, vector<16xf32>,
      } {sc.loop_unroll_factor = 8 : i64, sc.parallel_access}
      %mul3A_135 = arith.constant 4000 : i32
      %mul3A_136 = arith.muli %add3A_106, %mul3A_135 : i32
      %add3A_137 = arith.addi %mul3A_2, %mul3A_136 : i32
      %dma_start3A_138 = arith.constant 1 : i32
      %dma_start3A_139 = arith.constant 0 : i32
      %dma_start3A_140 = tpu.memref_slice %arg7[%dma_start3A_138, %dma_start3A_139] : memref<2x4000xf32, #tpu.memory_space<vmem>> -> memref<1x4000xf32, #tpu.memory_space<vmem>>
      %dma_start3A_141 = tpu.memref_squeeze %dma_start3A_140 : memref<1x4000xf32, #tpu.memory_space<vmem>> -> memref<4000xf32, #tpu.memory_space<vmem>>
      %dma_start3A_142 = tpu.memref_slice %arg4[%add3A_137] : memref<6400000xf32, #tpu.memory_space<hbm>> -> memref<4000xf32, #tpu.memory_space<hbm>>
      %dma_start3A_143 = tpu.memref_slice %arg4[%add3A_137] : memref<6400000xf32, #tpu.memory_space<hbm>> -> memref<4000xf32, #tpu.memory_space<hbm>>
      %dma_start3A_144 = arith.constant 0 : i32
      %dma_start3A_145 = tpu.memref_slice %arg7[%dma_start3A_138, %dma_start3A_144] : memref<2x4000xf32, #tpu.memory_space<vmem>> -> memref<1x4000xf32, #tpu.memory_space<vmem>>
      %dma_start3A_146 = tpu.memref_squeeze %dma_start3A_145 : memref<1x4000xf32, #tpu.memory_space<vmem>> -> memref<4000xf32, #tpu.memory_space<vmem>>
      tpu.enqueue_dma source(%dma_start3A_146 : memref<4000xf32, #tpu.memory_space<vmem>>) target(%dma_start3A_143 : memref<4000xf32, #tpu.memory_space<hbm>>) target_semaphore(%arg11 : memref<!tpu.dma_semaphore, #tpu.memory_space<semaphore_mem>>)
      %lt3A_147 = arith.constant 24 : i32
      %lt3A_148 = arith.cmpi slt, %scan3A_58, %lt3A_147 : i32
      %convert_element_type3A_149 = arith.extui %lt3A_148 : i1 to i32
      %cond3A_150 = arith.constant 0 : i32
      %cond3A_151 = arith.cmpi ne, %convert_element_type3A_149, %cond3A_150 : i32
      scf.if %cond3A_151 {
        %add3A_152 = arith.constant 2 : i32
        %add3A_153 = arith.addi %add3A_106, %add3A_152 : i32
        %mul3A_154 = arith.constant 4000 : i32
        %mul3A_155 = arith.muli %add3A_153, %mul3A_154 : i32
        %add3A_156 = arith.addi %mul3A_2, %mul3A_155 : i32
        %dma_start3A_157 = arith.constant 1 : i32
        %dma_start3A_158 = arith.constant 0 : i32
        %dma_start3A_159 = arith.constant 0 : i32
        %dma_start3A_160 = tpu.memref_slice %arg6[%dma_start3A_157, %dma_start3A_158, %dma_start3A_159] : memref<2x2x4000xi32, #tpu.memory_space<vmem>> -> memref<1x2x4000xi32, #tpu.memory_space<vmem>>
        %dma_start3A_161 = tpu.memref_squeeze %dma_start3A_160 : memref<1x2x4000xi32, #tpu.memory_space<vmem>> -> memref<2x4000xi32, #tpu.memory_space<vmem>>
        %dma_start3A_162 = arith.constant 0 : i32
        %dma_start3A_163 = tpu.memref_slice %arg3[%dma_start3A_162, %add3A_156] : memref<2x6400000xi32, #tpu.memory_space<hbm>> -> memref<2x4000xi32, #tpu.memory_space<hbm>>
        %dma_start3A_164 = arith.constant 0 : i32
        %dma_start3A_165 = arith.constant 0 : i32
        %dma_start3A_166 = tpu.memref_slice %arg6[%dma_start3A_157, %dma_start3A_164, %dma_start3A_165] : memref<2x2x4000xi32, #tpu.memory_space<vmem>> -> memref<1x2x4000xi32, #tpu.memory_space<vmem>>
        %dma_start3A_167 = tpu.memref_squeeze %dma_start3A_166 : memref<1x2x4000xi32, #tpu.memory_space<vmem>> -> memref<2x4000xi32, #tpu.memory_space<vmem>>
        %dma_start3A_168 = arith.constant 0 : i32
        %dma_start3A_169 = tpu.memref_slice %arg3[%dma_start3A_168, %add3A_156] : memref<2x6400000xi32, #tpu.memory_space<hbm>> -> memref<2x4000xi32, #tpu.memory_space<hbm>>
        tpu.enqueue_dma source(%dma_start3A_169 : memref<2x4000xi32, #tpu.memory_space<hbm>>) target(%dma_start3A_167 : memref<2x4000xi32, #tpu.memory_space<vmem>>) target_semaphore(%arg9 : memref<!tpu.dma_semaphore, #tpu.memory_space<semaphore_mem>>)
      } else {
      }
    }
    %scan3A_36 = arith.constant 25 : i32
    %dma_wait3A = arith.constant 0 : i32
    %dma_wait3A_37 = arith.constant 0 : i32
    %dma_wait3A_38 = tpu.memref_slice %arg7[%dma_wait3A, %dma_wait3A_37] : memref<2x4000xf32, #tpu.memory_space<vmem>> -> memref<1x4000xf32, #tpu.memory_space<vmem>>
    %dma_wait3A_39 = tpu.memref_squeeze %dma_wait3A_38 : memref<1x4000xf32, #tpu.memory_space<vmem>> -> memref<4000xf32, #tpu.memory_space<vmem>>
    %dma_wait3A_40 = arith.constant 0 : i32
    %dma_wait3A_41 = tpu.memref_slice %arg4[%dma_wait3A_40] : memref<6400000xf32, #tpu.memory_space<hbm>> -> memref<4000xf32, #tpu.memory_space<hbm>>
    %dma_wait3A_42 = arith.constant 0 : i32
    %dma_wait3A_43 = tpu.memref_slice %arg4[%dma_wait3A_42] : memref<6400000xf32, #tpu.memory_space<hbm>> -> memref<4000xf32, #tpu.memory_space<hbm>>
    %dma_wait3A_44 = arith.constant 0 : i32
    %dma_wait3A_45 = tpu.memref_slice %arg7[%dma_wait3A, %dma_wait3A_44] : memref<2x4000xf32, #tpu.memory_space<vmem>> -> memref<1x4000xf32, #tpu.memory_space<vmem>>
    %dma_wait3A_46 = tpu.memref_squeeze %dma_wait3A_45 : memref<1x4000xf32, #tpu.memory_space<vmem>> -> memref<4000xf32, #tpu.memory_space<vmem>>
    tpu.wait_dma2 semaphore(%arg10 : memref<!tpu.dma_semaphore, #tpu.memory_space<semaphore_mem>>) src(%dma_wait3A_46 : memref<4000xf32, #tpu.memory_space<vmem>>) dst(%dma_wait3A_43 : memref<4000xf32, #tpu.memory_space<hbm>>)
    %dma_wait3A_47 = arith.constant 1 : i32
    %dma_wait3A_48 = arith.constant 0 : i32
    %dma_wait3A_49 = tpu.memref_slice %arg7[%dma_wait3A_47, %dma_wait3A_48] : memref<2x4000xf32, #tpu.memory_space<vmem>> -> memref<1x4000xf32, #tpu.memory_space<vmem>>
    %dma_wait3A_50 = tpu.memref_squeeze %dma_wait3A_49 : memref<1x4000xf32, #tpu.memory_space<vmem>> -> memref<4000xf32, #tpu.memory_space<vmem>>
    %dma_wait3A_51 = arith.constant 0 : i32
    %dma_wait3A_52 = tpu.memref_slice %arg4[%dma_wait3A_51] : memref<6400000xf32, #tpu.memory_space<hbm>> -> memref<4000xf32, #tpu.memory_space<hbm>>
    %dma_wait3A_53 = arith.constant 0 : i32
    %dma_wait3A_54 = tpu.memref_slice %arg4[%dma_wait3A_53] : memref<6400000xf32, #tpu.memory_space<hbm>> -> memref<4000xf32, #tpu.memory_space<hbm>>
    %dma_wait3A_55 = arith.constant 0 : i32
    %dma_wait3A_56 = tpu.memref_slice %arg7[%dma_wait3A_47, %dma_wait3A_55] : memref<2x4000xf32, #tpu.memory_space<vmem>> -> memref<1x4000xf32, #tpu.memory_space<vmem>>
    %dma_wait3A_57 = tpu.memref_squeeze %dma_wait3A_56 : memref<1x4000xf32, #tpu.memory_space<vmem>> -> memref<4000xf32, #tpu.memory_space<vmem>>
    tpu.wait_dma2 semaphore(%arg11 : memref<!tpu.dma_semaphore, #tpu.memory_space<semaphore_mem>>) src(%dma_wait3A_57 : memref<4000xf32, #tpu.memory_space<vmem>>) dst(%dma_wait3A_54 : memref<4000xf32, #tpu.memory_space<hbm>>)
    return
  }
}

module attributes {stable_mosaic.version = 14 : i64} {
  func.func @_sigmoid_body(%arg0: memref<800x128xf32, #tpu.memory_space<vmem>>, %arg1: memref<800x128xf32, #tpu.memory_space<vmem>>) attributes {dimension_semantics = [], scalar_prefetch = 0 : i64, scratch_operands = 0 : i64, tpu.core_type = #tpu.core_type<tc>} {
    %get3A = arith.constant 0 : index
    %get3A_0 = arith.constant 0 : index
    %get3A_1 = vector.load %arg0[%get3A, %get3A_0] : memref<800x128xf32, #tpu.memory_space<vmem>>, vector<800x128xf32>
    %neg3A = arith.constant 0.000000e+00 : f32
    %neg3A_2 = vector.broadcast %neg3A : f32 to vector<800x128xf32>
    %neg3A_3 = arith.subf %neg3A_2, %get3A_1 : vector<800x128xf32>
    %exp3A = math.exp %neg3A_3 : vector<800x128xf32>
    %add3A = arith.constant 1.000000e+00 : f32
    %add3A_4 = vector.broadcast %add3A : f32 to vector<800x128xf32>
    %add3A_5 = arith.addf %add3A_4, %exp3A : vector<800x128xf32>
    %div3A = arith.constant 1.000000e+00 : f32
    %div3A_6 = vector.broadcast %div3A : f32 to vector<800x128xf32>
    %div3A_7 = arith.divf %div3A_6, %add3A_5 : vector<800x128xf32>
    %swap3A = arith.constant 0 : index
    %swap3A_8 = arith.constant 0 : index
    %swap3A_9 = vector.load %arg1[%swap3A, %swap3A_8] : memref<800x128xf32, #tpu.memory_space<vmem>>, vector<800x128xf32>
    tpu.vector_store %arg1[%swap3A, %swap3A_8], %div3A_7 {strides = array<i32>} : memref<800x128xf32, #tpu.memory_space<vmem>>, vector<800x128xf32>,
    return
  }
}

</mosaic_0001>

<sc_bundles>
// kernel: kernel.4.cloned.1.call-start
scs
__scs_entry_jumppad:
0x0: {  	(pc) =	sbr.rel $0x88, $3  }
0x1: {  	(tag) =	ssettag $0x0;
	lr =	simm.s32 $0x1  }
0x2: {  	[smem:$0x3F9F] =	sst lr;
	_ =	strace $0xD0000000  }
0x3: {  	_ = 	snop  }
0x4: {  	_ = 	snop  }
0x5: {  	_ = 	snop  }
0x6: {  	_ = 	snop  }
0x7: {  	_ = 	snop  }
__scs_overlays_trampoline_lowered:
0x8: {  	[smem:$0x3FAE] =	sst s0  }
0x9: {  	[smem:$0x3FAF] =	sst s1  }
0xa: {  	[smem:$0x3FB0] =	sst s2  }
0xb: {  	[smem:$0x3FB1] =	sst s3  }
0xc: {  	[smem:$0x3FB2] =	sst s4  }
0xd: {  	[smem:$0x3FB3] =	sst s5  }
0xe: {  	[smem:$0x3FB4] =	sst s6  }
0xf: {  	[smem:$0x3FB5] =	sst s7  }
0x10: {  	[smem:$0x3FB6] =	sst s8  }
0x11: {  	[smem:$0x3FB7] =	sst s9;
	s0 =	simm.s32 @!p0 $0x0  }
0x12: {  	s1 =	sld [smem:$0x3F9D];
	s0 =	simm.s32 @p0 $0x1  }
0x13: {  	[smem:$0x3FB8] =	sst s0;
	s0 =	simm.s32 @!p1 $0x0  }
0x14: {  	s2 =	sld [smem:$0x3F9C];
	s0 =	simm.s32 @p1 $0x1  }
0x15: {  	[smem:$0x3FB9] =	sst s0;
	s0 =	simm.s32 @!p2 $0x0  }
0x16: {  	s3 =	sld [smem:$0x3FDB];
	s0 =	simm.s32 @p2 $0x1  }
0x17: {  	s4 =	simm.s32 $0x1BF5;
	[smem:$0x3FBB] =	sst s0  }
0x18: {  	s0 =	sld [smem:$0x3F9E];
	_ =	swait.ge [sflag:s4], $0x0  }
0x19: {  	s7 =	sld [smem:$0x3F9F]  }
0x1a: {  	s8 =	sadd.s32 $0xFFFFE003, lr  }
0x1b: {  	s9 =	sadd.s32 $0xFFFFFEF7, lr;
	s5 =	simm.s32 $0xFFFFFFFF;
	p2 =	slt.u32 s8, $0xFFFFF086  }
0x1c: {  	p1 =	slt.u32 s9, $0xF7A;
	s5 =	simm.s32 @!p2 $0x0  }
0x1d: {  	s5 =	simm.s32 @p1 $0x1;
	p0 =	seq.s32 s7, s2  }
0x1e: {  	s7 =	smul.u32 @!p0 $0xF7A, s2;
	p2 =	seq.s32 @!p0 s5, $0x0  }
0x1f: {  	s9 =	smul.u32 $0xF7A, s1;
	s8 =	simm.s32 @!p0 $0x1BF5;
	p2 =	por !p2, p0  }
0x20: {  	[sflag:s8] =	ssyncset.s32 @!p0 $0xFFFFF086;
	s6 =	sadd.s32 @!p0 s3, s7;
	s7 =	simm.s32 @!p0 $0x108  }
0x21: {  	s3 =	sadd.s32 s3, s9;
	s6 =	sadd.s32 @!p0 $0x88, s6;
	s7 =	simm.s32 @p2 $0x1082  }
0x22: {  	[simem:s7], [sflag:s8] =	dma.local @!p0 [hbm:s6], $0xF7A  }
0x23: {  	s9 =	sor.u32 $0xD0000000, s2;
	s6 =	simm.s32 $0x108;
	_ =	swait.ge @!p0 [sflag:s8], $0x0  }
0x24: {  	s3 =	sadd.s32 $0x88, s3;
	s6 =	simm.s32 @!p1 $0x1082;
	[sflag:s4] =	ssyncset.s32 $0xFFFFF086  }
0x25: {  	[simem:s6], [sflag:s4] =	dma.local [hbm:s3], $0xF7A  }
0x26: {  	[smem:$0x3F9F] =	sst s1;
	(tag) =	ssettag s2;
	_ =	strace s9  }
0x27: {  	s1 =	sld [smem:$0x3FAF]  }
0x28: {  	s2 =	sld [smem:$0x3FB0]  }
0x29: {  	s4 =	sld [smem:$0x3FB2]  }
0x2a: {  	p0 =	seq.s32 s5, $0x0;
	s5 =	sld [smem:$0x3FB3]  }
0x2b: {  	s6 =	sld [smem:$0x3FB4]  }
0x2c: {  	s7 =	sld [smem:$0x3FB5]  }
0x2d: {  	s3 =	simm.s32 $0x108;
	s8 =	sld [smem:$0x3FB6]  }
0x2e: {  	s3 =	simm.s32 @!p0 $0x1082;
	s9 =	sld [smem:$0x3FB7]  }
0x2f: {  	lr =	sadd.s32 s0, s3;
	s0 =	sld [smem:$0x3FAE]  }
0x30: {  	s3 =	sld [smem:$0x3FB1]  }
0x31: {  	[smem:$0x3FBA] =	sst s10  }
0x32: {  	s10 =	sld [smem:$0x3FB8];
	_ =	sdelay $0x3  }
0x33: {  	p0 =	seq.s32 s10, $0x1;
	s10 =	sld [smem:$0x3FBA];
	_ =	sdelay $0x3  }
0x34: {  	[smem:$0x3FBA] =	sst s10  }
0x35: {  	s10 =	sld [smem:$0x3FB9];
	_ =	sdelay $0x3  }
0x36: {  	p1 =	seq.s32 s10, $0x1;
	s10 =	sld [smem:$0x3FBA];
	_ =	sdelay $0x3  }
0x37: {  	[smem:$0x3FBA] =	sst s10  }
0x38: {  	s10 =	sld [smem:$0x3FBB]  }
0x39: {  	_ = 	snop;
	(pc) =	sbr.ind lr, $3  }
0x3a: {  	_ = 	snop  }
0x3b: {  	_ = 	snop  }
0x3c: {  	p2 =	seq.s32 s10, $0x1;
	s10 =	sld [smem:$0x3FBA]  }
0x3d: {  	_ =	shalt  }
0x3e: {  	_ =	shalt  }
0x3f: {  	_ =	shalt  }
0x40: {  	_ =	shalt  }
0x41: {  	_ =	shalt  }
0x42: {  	_ =	shalt  }
0x43: {  	_ =	shalt  }
0x44: {  	_ =	shalt  }
0x45: {  	_ =	shalt  }
0x46: {  	_ =	shalt  }
0x47: {  	_ =	shalt  }
0x48: {  	_ =	shalt  }
0x49: {  	_ =	shalt  }
0x4a: {  	_ =	shalt  }
0x4b: {  	_ =	shalt  }
0x4c: {  	_ =	shalt  }
0x4d: {  	_ =	shalt  }
0x4e: {  	_ =	shalt  }
0x4f: {  	_ =	shalt  }
0x50: {  	_ =	shalt  }
0x51: {  	_ =	shalt  }
0x52: {  	_ =	shalt  }
0x53: {  	_ =	shalt  }
0x54: {  	_ =	shalt  }
0x55: {  	_ =	shalt  }
0x56: {  	_ =	shalt  }
0x57: {  	_ =	shalt  }
0x58: {  	_ =	shalt  }
0x59: {  	_ =	shalt  }
0x5a: {  	_ =	shalt  }
0x5b: {  	_ =	shalt  }
0x5c: {  	_ =	shalt  }
0x5d: {  	_ =	shalt  }
0x5e: {  	_ =	shalt  }
0x5f: {  	_ =	shalt  }
0x60: {  	_ =	shalt  }
0x61: {  	_ =	shalt  }
0x62: {  	_ =	shalt  }
0x63: {  	_ =	shalt  }
0x64: {  	_ =	shalt  }
0x65: {  	_ =	shalt  }
0x66: {  	_ =	shalt  }
0x67: {  	_ =	shalt  }
0x68: {  	_ =	shalt  }
0x69: {  	_ =	shalt  }
0x6a: {  	_ =	shalt  }
0x6b: {  	_ =	shalt  }
0x6c: {  	_ =	shalt  }
0x6d: {  	_ =	shalt  }
0x6e: {  	_ =	shalt  }
0x6f: {  	_ =	shalt  }
0x70: {  	_ =	shalt  }
0x71: {  	_ =	shalt  }
0x72: {  	_ =	shalt  }
0x73: {  	_ =	shalt  }
0x74: {  	_ =	shalt  }
0x75: {  	_ =	shalt  }
0x76: {  	_ =	shalt  }
0x77: {  	_ =	shalt  }
0x78: {  	_ =	shalt  }
0x79: {  	_ =	shalt  }
0x7a: {  	_ =	shalt  }
0x7b: {  	_ =	shalt  }
0x7c: {  	_ =	shalt  }
0x7d: {  	_ =	shalt  }
0x7e: {  	_ =	shalt  }
0x7f: {  	_ =	shalt  }
0x80: {  	_ =	shalt  }
0x81: {  	_ =	shalt  }
0x82: {  	_ =	shalt  }
0x83: {  	_ =	shalt  }
0x84: {  	_ =	shalt  }
0x85: {  	_ =	shalt  }
0x86: {  	_ =	shalt  }
0x87: {  	_ =	shalt  }
.Lfunc_end0:
.L_simem_size_0:
called_computation.1_lowered:
.L_overlay_start_0:
0x88: {  	s2 =	sld [smem:$0x3FD9]  }
0x89: {  	s3 =	sld [smem:$0x3FFE];
	_ =	sdelay $0x1  }
0x8a: {  	s1 =	srdreg.scid  }
0x8b: {  	s0 =	sand.u32 $0x1, s1  }
0x8c: {  	s17 =	sshll.u32 s0, $0xA;
	s2 =	sadd.s32 s3, s2  }
0x8d: {  	s2 =	sadd.s32 s2, s17  }
0x8e: {  	[smem:$0x3FC6] =	sst s2  }
0x8f: {  	_ = 	snop  }
0x90: {  	s2 =	sld [smem:$0x3FD0];
	(tm) =	ssettm $0x1  }
0x91: {  	s18 =	sld [smem:$0x3FFB];
	_ =	sdelay $0x3  }
0x92: {  	_ =	strace s18  }
0x93: {  	s3 =	sld [smem:$0x3FFC];
	_ =	sdelay $0x3  }
0x94: {  	_ =	strace s3  }
0x95: {  	s3 =	sld [smem:$0x3FFD];
	_ =	sdelay $0x3  }
0x96: {  	_ =	strace s3  }
0x97: {  	_ =	strace $0x8FFFFFFF  }
0x98: {  	s19 =	sld [smem:$0x3FDB];
	_ =	sdelay $0x1  }
0x99: {  	s4 =	simm.s32 $_scs_section_size  }
0x9a: {  	s5 =	simm.s32 $_size__tile_overlayer_lowered;
	s6 =	simm.s32 $_tile_overlayer_lowered  }
0x9b: {  	s22 =	simm.s32 $0x1BFF;
	s21 =	sshll.u32 s6, $0x1;
	s3 =	sadd.s32 s4, s19  }
0x9c: {  	s7 =	simm.s32 $0x0;
	s20 =	sshll.u32 s5, $0x1;
	s5 =	sadd.s32 s21, s3  }
0x9d: {  	[timem:s7], [sflag:s22] =	dma.local [hbm:s5], s20  }
0x9e: {  	_ =	swait.ge [sflag:s22], s20  }
0x9f: {  	s4 =	ssub.s32 $0x0, s20;
	[sflag:s22] =	ssyncset.done $0x0  }
0xa0: {  	[sflag:s22] =	ssyncadd.s32 s4;
	_ =	sdelay $0x1  }
0xa1: {  	s23 =	simm.s32 $0x1B8B  }
0xa2: {  	_ =	swait.ge [sflag:s23], $0x1  }
0xa3: {  	[sflag:s23] =	ssyncset.done $0x0  }
0xa4: {  	s25 =	simm.s32 $0x1B8E;
	s24 =	sld [smem:$0x3FFE];
	[sflag:s23] =	ssyncadd.s32 $0xFFFFFFFF  }
0xa5: {  	s26 =	simm.s32 $execute0_lowered;
	[smem:$0x3FD2] =	sst s25  }
0xa6: {  	s5 =	sshll.u32 s26, $0x1;
	_ =	strace $0x80000049;
	[dreg:$0x1] =	wrdreg $0xFFFFFFFF  }
0xa7: {  	s28 =	simm.s32 $_size_execute0_lowered;
	s3 =	sadd.s32 s3, s5;
	[dreg:$0x0] =	wrdreg $0x0  }
0xa8: {  	s5 =	sshll.u32 s28, $0x1;
	[dreg:$0x2] =	wrdreg s3  }
0xa9: {  	[dreg:$0x3] =	wrdreg s5  }
0xaa: {  	[dreg:$0x4] =	wrdreg $0xC0  }
0xab: {  	_ =	task [dreg:s7], $0x5FFFF  }
0xac: {  	[dreg:$0x1] =	wrdreg $0xFFFFFFFF  }
0xad: {  	[dreg:$0x0] =	wrdreg $0x60  }
0xae: {  	[dreg:$0x2] =	wrdreg s24  }
0xaf: {  	[dreg:$0x3] =	wrdreg s2  }
0xb0: {  	[dreg:$0x4] =	wrdreg $0x9  }
0xb1: {  	_ =	task.clear_ibuf [dreg:s7], $0x5FFFF;
	_ =	strace $0x90000049  }
0xb2: {  	s29 =	simm.s32 $0x9;
	_ =	strace $0x8000004B  }
0xb3: {  	_ =	swait.ge [sflag:s29], $0x1  }
0xb4: {  	[sflag:s29] =	ssyncadd.s32 $0xFFFFFFFF  }
0xb5: {  	_ =	strace $0x9000004B  }
0xb6: {  	_ =	sfence  }
0xb7: {  	s30 =	sld [smem:$0x0];
	_ =	sdelay $0x2  }
0xb8: {  	s31 =	sshll.u32 s1, $0xD;
	s1 =	sshrl.u32 s1, $0x2  }
0xb9: {  	s3 =	sand.u32 $0x4000, s31;
	s1 =	sadd.s32 s1, s30  }
0xba: {  	s0 =	sor.u32 s3, s0;
	s1 =	sshll.u32 s1, $0x11  }
0xbb: {  	s0 =	sor.u32 s1, s0  }
0xbc: {  	s0 =	sadd.s32 $0x8F2B, s0  }
0xbd: {  	[sflag:s0] =	ssyncadd.remote.s32 $0x1  }
0xbe: {  	_ =	sfence.sel $0xFFFF  }
0xbf: {  	[dreg:$0x0] =	wrdreg $0xFFFFFFFF;
	(pc) =	sbr.abs _section_cstart, $3  }
0xc0: {  	[dreg:$0x1] =	wrdreg $0xFFFFFFFF  }
0xc1: {  	_ =	task.clear_ibuf [dreg:s7], $0x2FFFF;
	_ =	strace $0x9FFFFFFF  }
0xc2: {  	(tm) =	ssettm $0x7FFFFFFF  }
0xc3: {  	_ =	shalt  }
tec
execute0_lowered:
.L_overlay_start_1:
0x0: {  	(tag) =	ssettag $0x1  }
0x1: {  	s0 =	rddreg [dreg:$0x0];
	s1 =	srdreg.scid  }
0x2: {  	s3 =	stileid.u32;
	s2 =	rddreg [dreg:$0x1]  }
0x3: {  	s13 =	simm.s32 $0xFA0;
	s14 =	simm.s32 $0x61A800;
	s15 =	simm.s32 $0x19000  }
0x4: {  	s16 =	simm.s32 $0x1AF40;
	s17 =	simm.s32 $0x5;
	s18 =	simm.s32 $0x1  }
0x5: {  	s19 =	simm.s32 $0x1CE80;
	s20 =	simm.s32 $0x2;
	s21 =	simm.s32 $0x4  }
0x6: {  	s22 =	simm.s32 $0x1DE20;
	s1 =	sand.u32 $0x1, s1;
	s4 =	sshll.u32 s3, $0x1  }
0x7: {  	s23 =	simm.s32 $0x3;
	s24 =	simm.s32 $0x0;
	s4 =	sor.u32 s1, s4  }
0x8: {  	s3 =	simm.s32 $0x0;
	s5 =	sadd.s32 $0x187200, s0;
	s4 =	smul.u32 $0x30D40, s4  }
.Ltmp0:
0x9: {  	[smem:$0x7FF] =	sst s3;
	s31 =	ssub.s32 $0x2, s1;
	(pc) =	sbr.rel .LBB2_1-.Ltmp0, $4  }
0xa: {  	s6 =	sadd.s32 $0x800, s0;
	_ =	strace $0x8000004A;
	s1 =	sshrl.u32 s31, $0x1  }
0xb: {  	s0 =	ssub.s32 s31, s1;
	s7 =	sadd.s32 $0xFA0, s4;
	s8 =	sshrl.u32 s4, $0x3  }
0xc: {  	s10 =	sadd.s32 $0x1F40, s4;
	s11 =	sadd.s32 $0x2EE0, s4;
	s9 =	sshrl.u32 s7, $0x3  }
0xd: {  	s12 =	smax.u32 s0, $0x1;
	s8 =	sadd.s32 s6, s8;
	s9 =	sadd.s32 s6, s9  }
.LBB2_16:
0xe: {  	s24 =	sadd.s32 $0x1, s24  }
0xf: {  	_ =	swait.ge [sflag:s23], $0xFA0;
	p0 =	sne.s32 s24, s12  }
.Ltmp1:
0x10: {  	[sflag:s23] =	ssyncset.done $0x0;
	(pc) =	sbr.rel @!p0 .LBB2_17-.Ltmp1, $4  }
0x11: {  	[sflag:s23] =	ssyncadd.s32 $0xFFFFF060  }
0x12: {  	_ =	swait.ge [sflag:s21], $0xFA0  }
0x13: {  	[sflag:s21] =	ssyncset.done $0x0  }
0x14: {  	[sflag:s21] =	ssyncadd.s32 $0xFFFFF060  }
.LBB2_1:
0x15: {  	[tilespmem:s15], [sflag:$0x1] =	stream.strided.gather [hbm4b:s8+s13], $0x1F40, s14, s13, $0x38;
	[tilespmem:$0x1EDC0] =	vst v63  }
0x16: {  	_ = 	snop  }
0x17: {  	[tilespmem:s16], [sflag:$0x2] =	stream.strided.gather [hbm4b:s9+s13], $0x1F40, s14, s13, $0x38;
	[tilespmem:$0x1EDC0] =	vst v63  }
0x18: {  	_ = 	snop  }
0x19: {  	[tilespmem:s3], [sflag:$0x5] =	stream.linear.gather [hbm4b:s5+s3], $0x19000, $0x38;
	[tilespmem:$0x1EDC0] =	vst v63  }
0x1a: {  	_ =	swait.ge [sflag:s17], $0x19000  }
0x1b: {  	[sflag:s17] =	ssyncset.done $0x0  }
0x1c: {  	s25 =	simm.s32 $0x0;
	[sflag:s17] =	ssyncadd.s32 $0xFFFE7000  }
.LBB2_2:
0x1d: {  	_ =	swait.ge [sflag:s18], $0x1F40  }
0x1e: {  	p0 =	seq.s32 s25, $0x0;
	[sflag:s18] =	ssyncset.done $0x0  }
0x1f: {  	s0 =	simm.s32 @!p0 $0x3;
	[sflag:s18] =	ssyncadd.s32 $0xFFFFE0C0  }
0x20: {  	_ =	swait.ge @!p0 [sflag:s0], $0xFA0  }
0x21: {  	[sflag:s0] =	ssyncset.done @!p0 $0x0  }
0x22: {  	s26 =	simm.s32 $0x1A010;
	[sflag:s0] =	ssyncadd.s32 @!p0 $0xFFFFF060  }
0x23: {  	v0 =	vld [tilespmem:s26+$0xFFFFF060]  }
0x24: {  	v1 =	vld [tilespmem:s26+$0x0]  }
0x25: {  	v2 =	vld [tilespmem:s26+$0xFFFFFF90]  }
0x26: {  	v3 =	vld [tilespmem:s26+$0xFFFFF000]  }
0x27: {  	v4 =	vld [tilespmem:s26+$0xFFFFFFA0]  }
0x28: {  	v5 =	vld [tilespmem:s26+$0xFFFFF010]  }
0x29: {  	v6 =	vld [tilespmem:s26+$0xFFFFFFB0]  }
0x2a: {  	v7 =	vld [tilespmem:s26+$0xFFFFF020]  }
0x2b: {  	v9 =	vld [tilespmem:s26+$0xFFFFF030]  }
0x2c: {  	v10 =	vld [tilespmem:s26+$0xFFFFFFD0]  }
0x2d: {  	v11 =	vld [tilespmem:s26+$0xFFFFF040]  }
0x2e: {  	v12 =	vld [tilespmem:s26+$0xFFFFFFE0]  }
0x2f: {  	v13 =	vld [tilespmem:s26+$0xFFFFF050]  }
0x30: {  	v14 =	vld [tilespmem:s26+$0xFFFFFFF0]  }
0x31: {  	v15 =	vld [tilespmem:s26+$0xFFFFEFF0]  }
0x32: {  	v8 =	vld.idx.msk [tilespmem:v0+s3+$0x0], $0xffff  }
0x33: {  	v1 =	vld.idx.msk [tilespmem:v1+s3+$0x0], $0xffff  }
0x34: {  	v0 =	vld [tilespmem:s26+$0xFFFFFFC0]  }
0x35: {  	v16 =	vld.idx.msk [tilespmem:v2+s3+$0x0], $0xffff  }
0x36: {  	v3 =	vld.idx.msk [tilespmem:v3+s3+$0x0], $0xffff  }
0x37: {  	v4 =	vld.idx.msk [tilespmem:v4+s3+$0x0], $0xffff  }
0x38: {  	v5 =	vld.idx.msk [tilespmem:v5+s3+$0x0], $0xffff  }
0x39: {  	v6 =	vld.idx.msk [tilespmem:v6+s3+$0x0], $0xffff  }
0x3a: {  	v7 =	vld.idx.msk [tilespmem:v7+s3+$0x0], $0xffff  }
0x3b: {  	v15 =	vld.idx.msk [tilespmem:v15+s3+$0x0], $0xffff  }
0x3c: {  	v17 =	vld.idx.msk [tilespmem:v0+s3+$0x0], $0xffff  }
0x3d: {  	v2 =	vld.idx.msk [tilespmem:v10+s3+$0x0], $0xffff  }
0x3e: {  	v8 =	vmul.f32 v1, v8;
	v1 =	vld.idx.msk [tilespmem:v11+s3+$0x0], $0xffff  }
0x3f: {  	s30 =	simm.s32 $0x1CEC0;
	v4 =	vmul.f32 v4, v3;
	v0 =	vld.idx.msk [tilespmem:v9+s3+$0x0], $0xffff  }
0x40: {  	v5 =	vmul.f32 v6, v5;
	v3 =	vld.idx.msk [tilespmem:v12+s3+$0x0], $0xffff;
	[tilespmem:s30+$0x30] =	vst v8  }
0x41: {  	s31 =	simm.s32 $0x0;
	s28 =	simm.s32 $0x1DE00;
	[tilespmem:s30+$0xFFFFFFD0] =	vst v4;
	v4 =	vld.idx.msk [tilespmem:v13+s3+$0x0], $0xffff;
	v7 =	vmul.f32 v17, v7  }
0x42: {  	s29 =	simm.s32 $0x1AF20;
	s1 =	simm.s32 $0x1A090;
	s26 =	simm.s32 $0xF70;
	v6 =	vmul.f32 v16, v15;
	[tilespmem:s30+$0xFFFFFFE0] =	vst v5;
	v5 =	vld.idx.msk [tilespmem:v14+s3+$0x0], $0xffff  }
.LBB2_3:
0x43: {  	v8 =	vld [tilespmem:s1+$0xFFFFF060];
	[tilespmem:s30+$0xFFFFFFF0] =	vst v7  }
0x44: {  	s31 =	sadd.s32 $0x80, s31;
	v0 =	vmul.f32 v2, v0;
	v7 =	vld [tilespmem:s1+$0x0];
	[tilespmem:s30+$0xFFFFFFC0] =	vst v6  }
0x45: {  	p1 =	slt.u32 s31, $0xF00;
	v2 =	vld [tilespmem:s1+$0xFFFFFF90]  }
0x46: {  	v6 =	vld [tilespmem:s1+$0xFFFFF000];
	[tilespmem:s30+$0x0] =	vst v0;
	v0 =	vmul.f32 v3, v1  }
0x47: {  	v1 =	vld [tilespmem:s1+$0xFFFFFFA0]  }
0x48: {  	v3 =	vld [tilespmem:s1+$0xFFFFF010];
	[tilespmem:s30+$0x10] =	vst v0;
	v0 =	vmul.f32 v5, v4  }
0x49: {  	v4 =	vld [tilespmem:s1+$0xFFFFFFB0]  }
0x4a: {  	v5 =	vld [tilespmem:s1+$0xFFFFF020];
	[tilespmem:s30+$0x20] =	vst v0  }
0x4b: {  	v0 =	vld.idx.msk [tilespmem:v8+s3+$0x0], $0xffff  }
0x4c: {  	v7 =	vld.idx.msk [tilespmem:v7+s3+$0x0], $0xffff  }
0x4d: {  	v8 =	vld [tilespmem:s1+$0xFFFFFFC0]  }
0x4e: {  	v9 =	vld [tilespmem:s1+$0xFFFFF030]  }
0x4f: {  	v10 =	vld [tilespmem:s1+$0xFFFFFFD0]  }
0x50: {  	v11 =	vld [tilespmem:s1+$0xFFFFF040]  }
0x51: {  	v12 =	vld [tilespmem:s1+$0xFFFFFFE0]  }
0x52: {  	v0 =	vmul.f32 v7, v0;
	v13 =	vld [tilespmem:s1+$0xFFFFF050]  }
0x53: {  	s30 =	sadd.s32 $0x80, s30;
	v14 =	vld [tilespmem:s1+$0xFFFFFFF0]  }
0x54: {  	v7 =	vld [tilespmem:s1+$0xFFFFEFF0];
	[tilespmem:s30+$0x30] =	vst v0  }
0x55: {  	v15 =	vld.idx.msk [tilespmem:v2+s3+$0x0], $0xffff  }
0x56: {  	v0 =	vld.idx.msk [tilespmem:v6+s3+$0x0], $0xffff  }
0x57: {  	v1 =	vld.idx.msk [tilespmem:v1+s3+$0x0], $0xffff  }
0x58: {  	v3 =	vld.idx.msk [tilespmem:v3+s3+$0x0], $0xffff  }
0x59: {  	v4 =	vld.idx.msk [tilespmem:v4+s3+$0x0], $0xffff  }
0x5a: {  	v5 =	vld.idx.msk [tilespmem:v5+s3+$0x0], $0xffff  }
0x5b: {  	v6 =	vld.idx.msk [tilespmem:v8+s3+$0x0], $0xffff  }
0x5c: {  	v8 =	vld.idx.msk [tilespmem:v7+s3+$0x0], $0xffff  }
0x5d: {  	v1 =	vmul.f32 v1, v0;
	v0 =	vld.idx.msk [tilespmem:v9+s3+$0x0], $0xffff  }
.Ltmp2:
0x5e: {  	v2 =	vld.idx.msk [tilespmem:v10+s3+$0x0], $0xffff;
	(pc) =	sbr.rel @p1 .LBB2_3-.Ltmp2, $4  }
0x5f: {  	v4 =	vmul.f32 v4, v3;
	[tilespmem:s30+$0xFFFFFFD0] =	vst v1;
	v1 =	vld.idx.msk [tilespmem:v11+s3+$0x0], $0xffff  }
0x60: {  	v3 =	vld.idx.msk [tilespmem:v12+s3+$0x0], $0xffff  }
0x61: {  	v7 =	vmul.f32 v6, v5;
	[tilespmem:s30+$0xFFFFFFE0] =	vst v4;
	v4 =	vld.idx.msk [tilespmem:v13+s3+$0x0], $0xffff  }
0x62: {  	s1 =	sadd.s32 $0x80, s1;
	v6 =	vmul.f32 v15, v8;
	v5 =	vld.idx.msk [tilespmem:v14+s3+$0x0], $0xffff  }
0x63: {  	_ =	sdelay $0x1  }
0x64: {  	[tilespmem:s30+$0xFFFFFFF0] =	vst v7;
	v0 =	vmul.f32 v2, v0  }
0x65: {  	[tilespmem:s30+$0xFFFFFFC0] =	vst v6;
	v1 =	vmul.f32 v3, v1  }
0x66: {  	[tilespmem:s30+$0x0] =	vst v0;
	v63 =	vmul.f32 v5, v4  }
0x67: {  	[tilespmem:s30+$0x10] =	vst v1  }
0x68: {  	[tilespmem:s30+$0x20] =	vst v63  }
.LBB2_5:
0x69: {  	v0 =	vld [tilespmem:s29+$0xFFFFF060]  }
0x6a: {  	v1 =	vld [tilespmem:s29+$0x0];
	_ =	sdelay $0x6  }
0x6b: {  	v0 =	vld.idx.msk [tilespmem:v0+s3+$0x0], $0xffff  }
0x6c: {  	v1 =	vld.idx.msk [tilespmem:v1+s3+$0x0], $0xffff  }
0x6d: {  	s26 =	sadd.s32 $0x10, s26  }
0x6e: {  	p1 =	slt.u32 s26, $0xF90  }
.Ltmp3:
0x6f: {  	_ = 	snop;
	(pc) =	sbr.rel @p1 .LBB2_5-.Ltmp3, $3  }
0x70: {  	_ = 	snop  }
0x71: {  	v0 =	vmul.f32 v1, v0;
	_ =	sdelay $0x1  }
0x72: {  	s29 =	sadd.s32 $0x10, s29;
	[tilespmem:s28+$0x0] =	vst v0;
	s28 =	sadd.s32 $0x10, s28  }
0x73: {  	s26 =	smul.u32 $0x1F40, s25;
	p1 =	sne.s32 s25, $0x18  }
.Ltmp4:
0x74: {  	_ = 	snop;
	(pc) =	sbr.rel @p1 .LBB2_8-.Ltmp4, $4  }
0x75: {  	s0 =	sadd.s32 s4, s26  }
0x76: {  	s0 =	sshrl.u32 s0, $0x3  }
0x77: {  	s0 =	sadd.s32 s2, s0  }
0x78: {  	[hbm4b:s0+s3] =	stream.linear.scatter [tilespmem:s19], [sflag:$0x3], $0xFA0, $0x38;
	[tilespmem:$0x1EDC0] =	vst v63  }
.Ltmp5:
0x79: {  	(pc) =	sbr.rel .LBB2_9-.Ltmp5, $4  }
0x7a: {  	_ = 	snop  }
0x7b: {  	_ =	swait.ge [sflag:s20], $0x1F40  }
0x7c: {  	[sflag:s20] =	ssyncset.done $0x0  }
0x7d: {  	[sflag:s20] =	ssyncadd.s32 $0xFFFFE0C0  }
.LBB2_8:
0x7e: {  	s0 =	sadd.s32 s26, s10  }
0x7f: {  	s0 =	sshrl.u32 s0, $0x3  }
.Ltmp6:
0x80: {  	s0 =	sadd.s32 s6, s0;
	(pc) =	sbr.rel @p0 .LBB2_10-.Ltmp6, $4  }
0x81: {  	[tilespmem:s15], [sflag:$0x1] =	stream.strided.gather [hbm4b:s0+s13], $0x1F40, s14, s13, $0x38;
	[tilespmem:$0x1EDC0] =	vst v63  }
0x82: {  	_ =	swait.ge [sflag:s20], $0x1F40  }
0x83: {  	[sflag:s20] =	ssyncset.done $0x0  }
0x84: {  	[sflag:s20] =	ssyncadd.s32 $0xFFFFE0C0  }
.LBB2_9:
0x85: {  	_ =	swait.ge [sflag:s21], $0xFA0  }
0x86: {  	[sflag:s21] =	ssyncset.done $0x0  }
0x87: {  	[sflag:s21] =	ssyncadd.s32 $0xFFFFF060  }
.LBB2_10:
0x88: {  	s0 =	simm.s32 $0x1BF50  }
0x89: {  	v0 =	vld [tilespmem:s0+$0xFFFFF060]  }
0x8a: {  	v1 =	vld [tilespmem:s0+$0x0]  }
0x8b: {  	v2 =	vld [tilespmem:s0+$0xFFFFFF90]  }
0x8c: {  	v3 =	vld [tilespmem:s0+$0xFFFFF000]  }
0x8d: {  	v4 =	vld [tilespmem:s0+$0xFFFFFFA0]  }
0x8e: {  	v5 =	vld [tilespmem:s0+$0xFFFFF010]  }
0x8f: {  	v6 =	vld [tilespmem:s0+$0xFFFFFFB0]  }
0x90: {  	v7 =	vld [tilespmem:s0+$0xFFFFF020]  }
0x91: {  	v9 =	vld [tilespmem:s0+$0xFFFFF030]  }
0x92: {  	v10 =	vld [tilespmem:s0+$0xFFFFFFD0]  }
0x93: {  	v11 =	vld [tilespmem:s0+$0xFFFFF040]  }
0x94: {  	v12 =	vld [tilespmem:s0+$0xFFFFFFE0]  }
0x95: {  	v13 =	vld [tilespmem:s0+$0xFFFFF050]  }
0x96: {  	v14 =	vld [tilespmem:s0+$0xFFFFFFF0]  }
0x97: {  	v15 =	vld [tilespmem:s0+$0xFFFFEFF0]  }
0x98: {  	v8 =	vld.idx.msk [tilespmem:v0+s3+$0x0], $0xffff  }
0x99: {  	v1 =	vld.idx.msk [tilespmem:v1+s3+$0x0], $0xffff  }
0x9a: {  	v0 =	vld [tilespmem:s0+$0xFFFFFFC0]  }
0x9b: {  	v16 =	vld.idx.msk [tilespmem:v2+s3+$0x0], $0xffff  }
0x9c: {  	v3 =	vld.idx.msk [tilespmem:v3+s3+$0x0], $0xffff  }
0x9d: {  	v4 =	vld.idx.msk [tilespmem:v4+s3+$0x0], $0xffff  }
0x9e: {  	v5 =	vld.idx.msk [tilespmem:v5+s3+$0x0], $0xffff  }
0x9f: {  	v6 =	vld.idx.msk [tilespmem:v6+s3+$0x0], $0xffff  }
0xa0: {  	v7 =	vld.idx.msk [tilespmem:v7+s3+$0x0], $0xffff  }
0xa1: {  	v15 =	vld.idx.msk [tilespmem:v15+s3+$0x0], $0xffff  }
0xa2: {  	v17 =	vld.idx.msk [tilespmem:v0+s3+$0x0], $0xffff  }
0xa3: {  	v2 =	vld.idx.msk [tilespmem:v10+s3+$0x0], $0xffff  }
0xa4: {  	v8 =	vmul.f32 v1, v8;
	v1 =	vld.idx.msk [tilespmem:v11+s3+$0x0], $0xffff  }
0xa5: {  	s30 =	simm.s32 $0x1DE90;
	v3 =	vmul.f32 v4, v3;
	v0 =	vld.idx.msk [tilespmem:v9+s3+$0x0], $0xffff  }
0xa6: {  	v5 =	vmul.f32 v6, v5;
	v4 =	vld.idx.msk [tilespmem:v12+s3+$0x0], $0xffff;
	[tilespmem:s30+$0x0] =	vst v8  }
0xa7: {  	s31 =	simm.s32 $0x0;
	[tilespmem:s30+$0xFFFFFFA0] =	vst v3;
	v3 =	vld.idx.msk [tilespmem:v13+s3+$0x0], $0xffff;
	v7 =	vmul.f32 v17, v7  }
0xa8: {  	s28 =	simm.s32 $0x1EDA0;
	s29 =	simm.s32 $0x1CE60;
	s1 =	simm.s32 $0x1BFD0;
	v6 =	vmul.f32 v16, v15;
	[tilespmem:s30+$0xFFFFFFB0] =	vst v5;
	v5 =	vld.idx.msk [tilespmem:v14+s3+$0x0], $0xffff  }
.LBB2_11:
0xa9: {  	v8 =	vld [tilespmem:s1+$0xFFFFF060];
	[tilespmem:s30+$0xFFFFFFC0] =	vst v7  }
0xaa: {  	s31 =	sadd.s32 $0x80, s31;
	v0 =	vmul.f32 v2, v0;
	v7 =	vld [tilespmem:s1+$0x0];
	[tilespmem:s30+$0xFFFFFF90] =	vst v6  }
0xab: {  	p0 =	slt.u32 s31, $0xF00;
	v2 =	vld [tilespmem:s1+$0xFFFFFF90]  }
0xac: {  	v6 =	vld [tilespmem:s1+$0xFFFFF000];
	[tilespmem:s30+$0xFFFFFFD0] =	vst v0;
	v0 =	vmul.f32 v4, v1  }
0xad: {  	v1 =	vld [tilespmem:s1+$0xFFFFFFA0]  }
0xae: {  	v4 =	vld [tilespmem:s1+$0xFFFFF010];
	[tilespmem:s30+$0xFFFFFFE0] =	vst v0;
	v0 =	vmul.f32 v5, v3  }
0xaf: {  	v3 =	vld [tilespmem:s1+$0xFFFFFFB0]  }
0xb0: {  	v5 =	vld [tilespmem:s1+$0xFFFFF020];
	[tilespmem:s30+$0xFFFFFFF0] =	vst v0  }
0xb1: {  	v0 =	vld.idx.msk [tilespmem:v8+s3+$0x0], $0xffff  }
0xb2: {  	v7 =	vld.idx.msk [tilespmem:v7+s3+$0x0], $0xffff  }
0xb3: {  	v8 =	vld [tilespmem:s1+$0xFFFFFFC0]  }
0xb4: {  	v9 =	vld [tilespmem:s1+$0xFFFFF030]  }
0xb5: {  	v10 =	vld [tilespmem:s1+$0xFFFFFFD0]  }
0xb6: {  	v11 =	vld [tilespmem:s1+$0xFFFFF040]  }
0xb7: {  	v12 =	vld [tilespmem:s1+$0xFFFFFFE0]  }
0xb8: {  	v0 =	vmul.f32 v7, v0;
	v13 =	vld [tilespmem:s1+$0xFFFFF050]  }
0xb9: {  	s30 =	sadd.s32 $0x80, s30;
	v14 =	vld [tilespmem:s1+$0xFFFFFFF0]  }
0xba: {  	s0 =	simm.s32 $0xF70;
	v7 =	vld [tilespmem:s1+$0xFFFFEFF0];
	[tilespmem:s30+$0x0] =	vst v0  }
0xbb: {  	v15 =	vld.idx.msk [tilespmem:v2+s3+$0x0], $0xffff  }
0xbc: {  	v0 =	vld.idx.msk [tilespmem:v6+s3+$0x0], $0xffff  }
0xbd: {  	v1 =	vld.idx.msk [tilespmem:v1+s3+$0x0], $0xffff  }
0xbe: {  	v4 =	vld.idx.msk [tilespmem:v4+s3+$0x0], $0xffff  }
0xbf: {  	v3 =	vld.idx.msk [tilespmem:v3+s3+$0x0], $0xffff  }
0xc0: {  	v5 =	vld.idx.msk [tilespmem:v5+s3+$0x0], $0xffff  }
0xc1: {  	v6 =	vld.idx.msk [tilespmem:v8+s3+$0x0], $0xffff  }
0xc2: {  	v8 =	vld.idx.msk [tilespmem:v7+s3+$0x0], $0xffff  }
0xc3: {  	v1 =	vmul.f32 v1, v0;
	v0 =	vld.idx.msk [tilespmem:v9+s3+$0x0], $0xffff  }
.Ltmp7:
0xc4: {  	v2 =	vld.idx.msk [tilespmem:v10+s3+$0x0], $0xffff;
	(pc) =	sbr.rel @p0 .LBB2_11-.Ltmp7, $4  }
0xc5: {  	v3 =	vmul.f32 v3, v4;
	[tilespmem:s30+$0xFFFFFFA0] =	vst v1;
	v1 =	vld.idx.msk [tilespmem:v11+s3+$0x0], $0xffff  }
0xc6: {  	v4 =	vld.idx.msk [tilespmem:v12+s3+$0x0], $0xffff  }
0xc7: {  	v7 =	vmul.f32 v6, v5;
	[tilespmem:s30+$0xFFFFFFB0] =	vst v3;
	v3 =	vld.idx.msk [tilespmem:v13+s3+$0x0], $0xffff  }
0xc8: {  	s1 =	sadd.s32 $0x80, s1;
	v6 =	vmul.f32 v15, v8;
	v5 =	vld.idx.msk [tilespmem:v14+s3+$0x0], $0xffff  }
0xc9: {  	_ =	sdelay $0x1  }
0xca: {  	[tilespmem:s30+$0xFFFFFFC0] =	vst v7;
	v0 =	vmul.f32 v2, v0  }
0xcb: {  	[tilespmem:s30+$0xFFFFFF90] =	vst v6;
	v1 =	vmul.f32 v4, v1  }
0xcc: {  	[tilespmem:s30+$0xFFFFFFD0] =	vst v0;
	v63 =	vmul.f32 v5, v3  }
0xcd: {  	[tilespmem:s30+$0xFFFFFFE0] =	vst v1  }
0xce: {  	[tilespmem:s30+$0xFFFFFFF0] =	vst v63  }
.LBB2_13:
0xcf: {  	v0 =	vld [tilespmem:s29+$0xFFFFF060]  }
0xd0: {  	v1 =	vld [tilespmem:s29+$0x0];
	_ =	sdelay $0x6  }
0xd1: {  	v0 =	vld.idx.msk [tilespmem:v0+s3+$0x0], $0xffff  }
0xd2: {  	v1 =	vld.idx.msk [tilespmem:v1+s3+$0x0], $0xffff  }
0xd3: {  	s0 =	sadd.s32 $0x10, s0  }
0xd4: {  	p0 =	slt.u32 s0, $0xF90  }
.Ltmp8:
0xd5: {  	_ = 	snop;
	(pc) =	sbr.rel @p0 .LBB2_13-.Ltmp8, $3  }
0xd6: {  	_ = 	snop  }
0xd7: {  	v0 =	vmul.f32 v1, v0;
	_ =	sdelay $0x1  }
0xd8: {  	s29 =	sadd.s32 $0x10, s29;
	[tilespmem:s28+$0x0] =	vst v0;
	s28 =	sadd.s32 $0x10, s28  }
0xd9: {  	p0 =	seq.s32 s25, $0x18  }
.Ltmp9:
0xda: {  	_ = 	snop;
	(pc) =	sbr.rel @p0 .LBB2_16-.Ltmp9, $4  }
0xdb: {  	s0 =	sadd.s32 s26, s7  }
0xdc: {  	s0 =	sshrl.u32 s0, $0x3  }
0xdd: {  	s0 =	sadd.s32 s2, s0  }
0xde: {  	[hbm4b:s0+s3] =	stream.linear.scatter [tilespmem:s22], [sflag:$0x4], $0xFA0, $0x38;
	[tilespmem:$0x1EDC0] =	vst v63  }
.Ltmp10:
0xdf: {  	(pc) =	sbr.rel .LBB2_2-.Ltmp10, $4  }
0xe0: {  	s0 =	sadd.s32 s26, s11  }
0xe1: {  	s0 =	sshrl.u32 s0, $0x3  }
0xe2: {  	s25 =	sadd.s32 $0x1, s25;
	s0 =	sadd.s32 s6, s0  }
0xe3: {  	[tilespmem:s16], [sflag:$0x2] =	stream.strided.gather [hbm4b:s0+s13], $0x1F40, s14, s13, $0x38;
	[tilespmem:$0x1EDC0] =	vst v63  }
.LBB2_17:
0xe4: {  	_ =	sfence.sel $0x180000  }
0xe5: {  	[bflag:$0x0] =	sbarrier.arrive $0xFFFF  }
0xe6: {  	_ =	strace $0x9000004A  }
0xe7: {  	s0 =	stileid.u32;
	[bflag:$0x2] =	sbarrier.arrive $0xFFFF  }
0xe8: {  	p0 =	sne.s32 s0, $0x0;
	s0 =	rddreg [dreg:$0x2]  }
0xe9: {  	s0 =	sadd.s32 @!p0 $0x100000, s0  }
0xea: {  	[sflag:s0] =	ssyncadd.tile.s32 @!p0 $0x1;
	_ =	shalt  }
.Lfunc_end2:
_tile_overlayer_lowered:
.L_overlay_start_2:
0xeb: {  	(tag) =	ssettag $0x2  }
0xec: {  	s0 =	rddreg [dreg:$0x0];
	s2 =	stileid.u32  }
0xed: {  	s1 =	rddreg [dreg:$0x1];
	p0 =	sne.s32 s2, $0x0  }
0xee: {  	s3 =	rddreg [dreg:$0x2];
	[bflag:$0x3] =	sbarrier.arrive $0xFFFF;
	s2 =	simm.s32 @!p0 $0x1C05  }
0xef: {  	[timem:s3], [sflag:s2] =	dma.local @!p0 [hbm:s0], s1  }
0xf0: {  	s0 =	simm.s32 @!p0 $0x5  }
0xf1: {  	_ =	swait.ge @!p0 [sflag:s0], s1  }
0xf2: {  	s1 =	ssub.s32 @!p0 $0x0, s1;
	[sflag:s0] =	ssyncset.done @!p0 $0x0  }
0xf3: {  	[sflag:s0] =	ssyncadd.s32 @!p0 s1  }
0xf4: {  	[bflag:$0x3] =	sbarrier.arrive $0xFFFF  }
0xf5: {  	_ =	shalt  }

// kernel: sparse-core-data-format-call.cloned.1.call-start
scs
called_computation_lowered:
.L_overlay_start_0:
0x0: {  	s2 =	sld [smem:$0x3FD9]  }
0x1: {  	s3 =	sld [smem:$0x3FFE];
	_ =	sdelay $0x1  }
0x2: {  	s1 =	srdreg.scid  }
0x3: {  	s0 =	sand.u32 $0x1, s1  }
0x4: {  	s18 =	sshll.u32 s0, $0xA;
	s2 =	sadd.s32 s3, s2  }
0x5: {  	s2 =	sadd.s32 s2, s18  }
0x6: {  	[smem:$0x3FC6] =	sst s2  }
0x7: {  	_ = 	snop  }
0x8: {  	s2 =	sld [smem:$0x3FC8];
	(tm) =	ssettm $0x1  }
0x9: {  	s19 =	sld [smem:$0x3FFB];
	_ =	sdelay $0x3  }
0xa: {  	_ =	strace s19  }
0xb: {  	s3 =	sld [smem:$0x3FFC];
	_ =	sdelay $0x3  }
0xc: {  	_ =	strace s3  }
0xd: {  	s3 =	sld [smem:$0x3FFD];
	_ =	sdelay $0x3  }
0xe: {  	_ =	strace s3  }
0xf: {  	_ =	strace $0x8FFFFFFF  }
0x10: {  	s20 =	sld [smem:$0x3FDB];
	_ =	sdelay $0x1  }
0x11: {  	s4 =	simm.s32 $_scs_section_size  }
0x12: {  	s5 =	simm.s32 $_size__tile_overlayer_lowered;
	s6 =	simm.s32 $_tile_overlayer_lowered  }
0x13: {  	s23 =	simm.s32 $0x1BFF;
	s22 =	sshll.u32 s6, $0x1;
	s3 =	sadd.s32 s4, s20  }
0x14: {  	s7 =	simm.s32 $0x0;
	s21 =	sshll.u32 s5, $0x1;
	s5 =	sadd.s32 s22, s3  }
0x15: {  	[timem:s7], [sflag:s23] =	dma.local [hbm:s5], s21  }
0x16: {  	_ =	swait.ge [sflag:s23], s21  }
0x17: {  	s4 =	ssub.s32 $0x0, s21;
	[sflag:s23] =	ssyncset.done $0x0  }
0x18: {  	[sflag:s23] =	ssyncadd.s32 s4;
	_ =	sdelay $0x1  }
0x19: {  	s24 =	simm.s32 $0x1B8B  }
0x1a: {  	_ =	swait.ge [sflag:s24], $0x1  }
0x1b: {  	[sflag:s24] =	ssyncset.done $0x0  }
0x1c: {  	s26 =	simm.s32 $0x1B8E;
	s25 =	sld [smem:$0x3FFE];
	[sflag:s24] =	ssyncadd.s32 $0xFFFFFFFF  }
0x1d: {  	s27 =	simm.s32 $execute0_lowered;
	[smem:$0x3FD2] =	sst s26  }
0x1e: {  	s5 =	sshll.u32 s27, $0x1;
	_ =	strace $0x80000046;
	[dreg:$0x1] =	wrdreg $0xFFFFFFFF  }
0x1f: {  	s28 =	simm.s32 $_size_execute0_lowered;
	s3 =	sadd.s32 s3, s5;
	[dreg:$0x0] =	wrdreg $0x0  }
0x20: {  	s5 =	sshll.u32 s28, $0x1;
	[dreg:$0x2] =	wrdreg s3  }
0x21: {  	[dreg:$0x3] =	wrdreg s5  }
0x22: {  	[dreg:$0x4] =	wrdreg $0xC0  }
0x23: {  	_ =	task [dreg:s7], $0x5FFFF  }
0x24: {  	[dreg:$0x1] =	wrdreg $0xFFFFFFFF  }
0x25: {  	[dreg:$0x0] =	wrdreg $0x60  }
0x26: {  	[dreg:$0x2] =	wrdreg s2  }
0x27: {  	[dreg:$0x3] =	wrdreg s25  }
0x28: {  	[dreg:$0x4] =	wrdreg $0x9  }
0x29: {  	_ =	task.clear_ibuf [dreg:s7], $0x5FFFF;
	_ =	strace $0x90000046  }
0x2a: {  	s29 =	simm.s32 $0x9;
	_ =	strace $0x80000048  }
0x2b: {  	_ =	swait.ge [sflag:s29], $0x1  }
0x2c: {  	[sflag:s29] =	ssyncadd.s32 $0xFFFFFFFF  }
0x2d: {  	_ =	strace $0x90000048  }
0x2e: {  	_ =	sfence  }
0x2f: {  	s30 =	sld [smem:$0x0];
	_ =	sdelay $0x2  }
0x30: {  	s31 =	sshll.u32 s1, $0xD;
	s1 =	sshrl.u32 s1, $0x2  }
0x31: {  	s3 =	sand.u32 $0x4000, s31;
	s1 =	sadd.s32 s1, s30  }
0x32: {  	s0 =	sor.u32 s3, s0;
	s1 =	sshll.u32 s1, $0x11  }
0x33: {  	s0 =	sor.u32 s1, s0  }
0x34: {  	s0 =	sadd.s32 $0x8F2B, s0  }
0x35: {  	[sflag:s0] =	ssyncadd.remote.s32 $0x1  }
0x36: {  	_ =	sfence.sel $0xFFFF  }
0x37: {  	[dreg:$0x0] =	wrdreg $0xFFFFFFFF;
	(pc) =	sbr.abs _section_cstart, $3  }
0x38: {  	[dreg:$0x1] =	wrdreg $0xFFFFFFFF  }
0x39: {  	_ =	task.clear_ibuf [dreg:s7], $0x2FFFF;
	_ =	strace $0x9FFFFFFF  }
0x3a: {  	(tm) =	ssettm $0x7FFFFFFF  }
0x3b: {  	_ =	shalt  }
tec
execute0_lowered:
.L_overlay_start_1:
0x0: {  	(tag) =	ssettag $0x1  }
0x1: {  	s0 =	stileid.u32;
	s7 =	rddreg [dreg:$0x0]  }
0x2: {  	s1 =	srdreg.scid;
	s4 =	rddreg [dreg:$0x1]  }
0x3: {  	s30 =	simm.s32 $0x2;
	s10 =	simm.s32 $0x0;
	s14 =	simm.s32 $0x0  }
0x4: {  	s15 =	simm.s32 $0x0;
	s11 =	simm.s32 $0x0;
	s13 =	simm.s32 $0x0  }
0x5: {  	s2 =	sand.u32 $0x1, s1;
	s3 =	sshll.u32 s0, $0x7;
	s1 =	rddreg [dreg:$0x2]  }
0x6: {  	_ =	strace $0x80000047;
	s5 =	ssub.s32 $0xC300, s3;
	s6 =	ssub.s32 $0x2, s2  }
.Ltmp0:
0x7: {  	s5 =	sshrl.u32 s5, $0xB;
	s8 =	sshrl.u32 s6, $0x1;
	(pc) =	sbr.rel .LBB1_1-.Ltmp0, $4  }
0x8: {  	s4 =	sadd.s32 $0x800, s4;
	s9 =	sadd.s32 $0x1, s5;
	s6 =	ssub.s32 s6, s8  }
0x9: {  	s31 =	sshll.u32 s2, $0x4;
	s5 =	simm.s32 $0x1;
	s6 =	smul.u32 s9, s6  }
0xa: {  	s12 =	smov.u32 s3;
	s7 =	sadd.s32 s7, s31;
	[sflag:s5] =	ssyncpa.u1 $0x0  }
0xb: {  	s9 =	simm.s32 $0x0;
	[sflag:s30] =	ssyncpa.u1 $0x0;
	s8 =	sadd.s32 $0x1, s6  }
.LBB1_4:
0xc: {  	s21 =	simm.s32 $0x0  }
.LBB1_8:
0xd: {  	_ =	sdelay $0x3  }
0xe: {  	v6 =	vld [tilespmem:s18+$0xFFFFFFC0];
	[tilespmem:v0+s20+$0x30 ss:$0x1] =	vst.idx.msk @p0 $0xffff, v2  }
0xf: {  	v58 =	vld [tilespmem:s18+$0xFFFFFFD0];
	[tilespmem:v0+s20+$0x40 ss:$0x1] =	vst.idx.msk @p0 $0xffff, v3;
	s21 =	sadd.s32 @p0 $0x80, s21  }
0x10: {  	v59 =	vld [tilespmem:s18+$0xFFFFFFE0];
	[tilespmem:v0+s20+$0x50 ss:$0x1] =	vst.idx.msk @p0 $0xffff, v5;
	s19 =	smov.u32 @p0 s21  }
0x11: {  	v60 =	vld [tilespmem:s18+$0xFFFFFFF0];
	[tilespmem:v0+s20+$0x60 ss:$0x1] =	vst.idx.msk @p0 $0xffff, v4;
	s19 =	sand.u32 $0x3F80, s19  }
0x12: {  	v61 =	vld [tilespmem:s18+$0x0];
	[tilespmem:v0+s19+$0x70 ss:$0x1] =	vst.idx.msk $0xffff, v1  }
0x13: {  	v62 =	vld [tilespmem:s18+$0x10];
	[tilespmem:v0+s19+$0x0 ss:$0x1] =	vst.idx.msk $0xffff, v6  }
0x14: {  	v63 =	vld [tilespmem:s18+$0x20];
	[tilespmem:v0+s19+$0x10 ss:$0x1] =	vst.idx.msk $0xffff, v58  }
0x15: {  	[tilespmem:v0+s19+$0x20 ss:$0x1] =	vst.idx.msk $0xffff, v59  }
0x16: {  	[tilespmem:v0+s19+$0x30 ss:$0x1] =	vst.idx.msk $0xffff, v60  }
0x17: {  	[tilespmem:v0+s19+$0x40 ss:$0x1] =	vst.idx.msk $0xffff, v61  }
0x18: {  	[tilespmem:v0+s19+$0x50 ss:$0x1] =	vst.idx.msk $0xffff, v62  }
0x19: {  	[tilespmem:v0+s19+$0x60 ss:$0x1] =	vst.idx.msk $0xffff, v63  }
.LBB1_9:
0x1a: {  	s18 =	sand.u32 $0x1FFFFFF, s11  }
0x1b: {  	s19 =	smulhi.u32 $0x14F8B59, s18;
	_ =	sdelay $0x1  }
0x1c: {  	s19 =	sshrl.u32 s19, $0x8  }
0x1d: {  	s19 =	smul.u32 $0xC350, s19  }
0x1e: {  	s15 =	smul.u32 $0xC3500, s15  }
0x1f: {  	s18 =	ssub.s32 s18, s19  }
0x20: {  	s15 =	sadd.s32 s4, s15;
	s18 =	sshll.u32 s18, $0x4  }
0x21: {  	s15 =	sadd.s32 s18, s15  }
0x22: {  	[hbm4b:s15+s9] =	stream.linear.scatter [tilespmem:s17], [sflag:$0x2], s16, $0x38;
	[tilespmem:$0x10000] =	vst v63  }
.LBB1_10:
0x23: {  	p0 =	slt.u32 s13, $0x2  }
0x24: {  	p1 =	sgt.s32 @!p0 s14, $0xC2D0  }
0x25: {  	s15 =	smov.u32 s14;
	s16 =	sshra.s32 @!p0 s14, $0x1F;
	p1 =	por !p1, p0  }
0x26: {  	s14 =	sand.u32 @!p0 s16, s14;
	s15 =	simm.s32 @p1 $0xC2D0  }
0x27: {  	s14 =	ssub.s32 @!p0 s15, s14  }
0x28: {  	s14 =	sadd.s32 @!p0 $0xFFFF3D30, s14  }
0x29: {  	s15 =	sshll.u32 @!p0 s14, $0x7  }
0x2a: {  	p1 =	sgt.s32 @!p0 s14, $0x7F;
	s14 =	ssub.s32 @!p0 $0x4000, s15  }
0x2b: {  	s16 =	sadd.s32 $0x800, s12;
	p1 =	por !p1, p0;
	s14 =	sand.u32 @!p0 $0x3FFFFF80, s14  }
0x2c: {  	s14 =	simm.s32 @!p1 $0x0;
	p1 =	sgt.s32 s16, $0xC34F  }
0x2d: {  	s16 =	smov.u32 @p1 s3;
	p1 =	sne.s32 s13, s8  }
.Ltmp1:
0x2e: {  	_ = 	snop;
	(pc) =	sbr.rel @!p1 .LBB1_11-.Ltmp1, $4  }
0x2f: {  	s10 =	sadd.s32 $0x4000, s10;
	s15 =	simm.s32 @!p0 $0x2  }
0x30: {  	_ =	swait.ge @!p0 [sflag:s15], s14;
	s17 =	ssub.s32 @!p0 $0x0, s14;
	s14 =	smov.u32 s11  }
0x31: {  	s13 =	sadd.s32 $0x1, s13;
	s11 =	smov.u32 s12;
	[sflag:s15] =	ssyncset.done @!p0 $0x0  }
0x32: {  	s12 =	smov.u32 s16;
	[sflag:s15] =	ssyncadd.s32 @!p0 s17;
	s15 =	smov.u32 s2  }
.LBB1_1:
0x33: {  	p0 =	sge.u32 s13, s6  }
0x34: {  	p1 =	sgt.s32 @!p0 s12, $0xC2D0  }
0x35: {  	s16 =	smov.u32 s12;
	s17 =	sshra.s32 @!p0 s12, $0x1F;
	p1 =	por !p1, p0  }
0x36: {  	s17 =	sand.u32 @!p0 s17, s12;
	s16 =	simm.s32 @p1 $0xC2D0  }
0x37: {  	s16 =	ssub.s32 @!p0 s16, s17  }
0x38: {  	s31 =	sadd.s32 $0xFFFFFFFF, s13;
	s18 =	sxor.u32 @!p0 $0xFFFFFFFF, s13;
	s16 =	sadd.s32 @!p0 $0xFFFF3D30, s16  }
0x39: {  	s19 =	simm.s32 @!p0 $0x80;
	s20 =	simm.s32 @!p0 $0x100;
	s17 =	sshll.u32 @!p0 s16, $0x7  }
0x3a: {  	p1 =	sgt.s32 @!p0 s16, $0x7F;
	s16 =	ssub.s32 @!p0 $0x4000, s17;
	s17 =	sshll.u32 @!p0 s18, $0xE  }
0x3b: {  	p1 =	por !p1, p0;
	s18 =	sshll.u32 @!p0 s12, $0x5;
	s16 =	sand.u32 @!p0 $0x3FFFFF80, s16  }
0x3c: {  	s17 =	sand.u32 @!p0 $0x4000, s17;
	s18 =	sadd.s32 @!p0 s18, s7;
	s16 =	simm.s32 @!p1 $0x0  }
0x3d: {  	[tilespmem:s17], [sflag:$0x1] =	stream.strided.gather @!p0 [hbm4b:s18+s19], s16, s20, s19, $0x38;
	[tilespmem:$0x10000] =	vst v63  }
0x3e: {  	p0 =	sge.u32 s31, s6  }
.Ltmp2:
0x3f: {  	_ = 	snop;
	(pc) =	sbr.rel @p0 .LBB1_10-.Ltmp2, $1  }
0x40: {  	_ =	sdelay $0x3  }
0x41: {  	p0 =	sgt.s32 s11, $0xC2D0;
	s16 =	smov.u32 s11;
	s17 =	sshra.s32 s11, $0x1F  }
0x42: {  	s16 =	simm.s32 @!p0 $0xC2D0;
	s17 =	sand.u32 s17, s11  }
0x43: {  	s16 =	ssub.s32 s16, s17  }
0x44: {  	s16 =	sadd.s32 $0xFFFF3D30, s16  }
0x45: {  	s30 =	sshll.u32 s16, $0x7  }
0x46: {  	s17 =	ssub.s32 $0x4000, s30  }
0x47: {  	p0 =	sgt.s32 s16, $0x7F;
	s16 =	sand.u32 $0x3FFFFF80, s17;
	s17 =	sadd.s32 $0x80, s11  }
0x48: {  	s16 =	simm.s32 @p0 $0x0;
	p0 =	slt.s32 s17, $0xC350  }
0x49: {  	s17 =	simm.s32 @!p0 $0xC350  }
0x4a: {  	s20 =	ssub.s32 s17, s11  }
0x4b: {  	p0 =	slt.s32 s20, $0x1  }
.Ltmp3:
0x4c: {  	_ = 	snop;
	(pc) =	sbr.rel @p0 .LBB1_9-.Ltmp3, $4  }
0x4d: {  	_ = 	snop  }
0x4e: {  	s19 =	sshll.u32 s13, $0xE;
	_ =	swait.ge [sflag:s5], s16  }
0x4f: {  	s31 =	sand.u32 $0x4000, s19;
	s18 =	ssub.s32 $0x0, s16;
	[sflag:s5] =	ssyncset.done $0x0  }
0x50: {  	s17 =	sor.u32 $0x8000, s31;
	[sflag:s5] =	ssyncadd.s32 s18  }
0x51: {  	p1 =	sne.s32 s20, $0x1  }
.Ltmp4:
0x52: {  	v0 =	vmov s17;
	(pc) =	sbr.rel @!p1 .LBB1_4-.Ltmp4, $4  }
0x53: {  	_ = 	snop  }
0x54: {  	s18 =	sand.u32 $0x4000, s10  }
0x55: {  	s18 =	sor.u32 $0x40, s18  }
0x56: {  	s19 =	simm.s32 $0x0;
	s21 =	sadd.s32 $0xFFFFFFFF, s20;
	p0 =	por $0x0, $0x0;
	v1 =	vld [tilespmem:s18+$0x30]  }
0x57: {  	v4 =	vld [tilespmem:s18+$0xFFFFFFC0]  }
0x58: {  	v6 =	vld [tilespmem:s18+$0xFFFFFFD0]  }
0x59: {  	v7 =	vld [tilespmem:s18+$0xFFFFFFE0];
	p1 =	sne.s32 s21, $0x1  }
.Ltmp5:
0x5a: {  	v2 =	vld [tilespmem:s18+$0xFFFFFFF0];
	s20 =	sand.u32 $0x3F80, s19;
	(pc) =	sbr.rel @!p1 .LBB1_6-.Ltmp5, $4  }
0x5b: {  	v3 =	vld [tilespmem:s18+$0x0];
	[tilespmem:v0+s20+$0x70 ss:$0x1] =	vst.idx.msk $0xffff, v1  }
0x5c: {  	v5 =	vld [tilespmem:s18+$0x10];
	[tilespmem:v0+s20+$0x0 ss:$0x1] =	vst.idx.msk $0xffff, v4  }
0x5d: {  	v4 =	vld [tilespmem:s18+$0x20];
	[tilespmem:v0+s20+$0x10 ss:$0x1] =	vst.idx.msk $0xffff, v6;
	s18 =	sadd.s32 $0x80, s18  }
0x5e: {  	s22 =	sadd.s32 $0xFFFFFFFF, s21;
	p0 =	por $0x1, $0x1;
	s21 =	simm.s32 $0x0;
	[tilespmem:v0+s20+$0x20 ss:$0x1] =	vst.idx.msk $0xffff, v7;
	v1 =	vld [tilespmem:s18+$0x30]  }
.LBB1_7:
0x5f: {  	p1 =	sne.s32 s22, $0x1;
	v6 =	vld [tilespmem:s18+$0xFFFFFFC0];
	[tilespmem:v0+s20+$0x30 ss:$0x1] =	vst.idx.msk $0xffff, v2  }
0x60: {  	v7 =	vld [tilespmem:s18+$0xFFFFFFD0];
	[tilespmem:v0+s20+$0x40 ss:$0x1] =	vst.idx.msk $0xffff, v3  }
0x61: {  	s21 =	sadd.s32 $0x80, s21;
	v8 =	vld [tilespmem:s18+$0xFFFFFFE0];
	[tilespmem:v0+s20+$0x50 ss:$0x1] =	vst.idx.msk $0xffff, v5  }
.Ltmp6:
0x62: {  	v2 =	vld [tilespmem:s18+$0xFFFFFFF0];
	[tilespmem:v0+s20+$0x60 ss:$0x1] =	vst.idx.msk $0xffff, v4;
	s20 =	sand.u32 $0x3F80, s21;
	(pc) =	sbr.rel @p1 .LBB1_7-.Ltmp6, $4  }
0x63: {  	v3 =	vld [tilespmem:s18+$0x0];
	[tilespmem:v0+s20+$0x70 ss:$0x1] =	vst.idx.msk $0xffff, v1  }
0x64: {  	[tilespmem:v0+s20+$0x0 ss:$0x1] =	vst.idx.msk $0xffff, v6;
	v5 =	vld [tilespmem:s18+$0x10]  }
0x65: {  	[tilespmem:v0+s20+$0x10 ss:$0x1] =	vst.idx.msk $0xffff, v7;
	v4 =	vld [tilespmem:s18+$0x20];
	s18 =	sadd.s32 $0x80, s18  }
0x66: {  	s22 =	sadd.s32 $0xFFFFFFFF, s22;
	v1 =	vld [tilespmem:s18+$0x30];
	[tilespmem:v0+s20+$0x20 ss:$0x1] =	vst.idx.msk $0xffff, v8  }
.Ltmp7:
0x67: {  	_ = 	snop;
	(pc) =	sbr.rel .LBB1_8-.Ltmp7, $1  }
0x68: {  	_ =	sdelay $0x3  }
.LBB1_6:
.Ltmp8:
0x69: {  	(pc) =	sbr.rel .LBB1_8-.Ltmp8, $2  }
0x6a: {  	_ =	sdelay $0x2  }
0x6b: {  	s21 =	simm.s32 $0x0  }
.LBB1_11:
0x6c: {  	_ =	sfence.sel $0x180000  }
0x6d: {  	s2 =	simm.s32 $0x1;
	[bflag:$0x0] =	sbarrier.arrive $0xFFFF  }
0x6e: {  	s31 =	simm.s32 $0x2;
	[sflag:s2] =	ssyncpa.u1 $0x1  }
0x6f: {  	[sflag:s31] =	ssyncpa.u1 $0x1  }
0x70: {  	p0 =	sne.s32 s0, $0x0;
	_ =	strace $0x90000047  }
0x71: {  	s0 =	sadd.s32 @!p0 $0x100000, s1;
	[bflag:$0x2] =	sbarrier.arrive $0xFFFF  }
0x72: {  	[sflag:s0] =	ssyncadd.tile.s32 @!p0 $0x1;
	_ =	shalt  }
.Lfunc_end1:
_tile_overlayer_lowered:
.L_overlay_start_2:
0x73: {  	(tag) =	ssettag $0x2  }
0x74: {  	s0 =	rddreg [dreg:$0x0];
	s2 =	stileid.u32  }
0x75: {  	s1 =	rddreg [dreg:$0x1];
	p0 =	sne.s32 s2, $0x0  }
0x76: {  	s3 =	rddreg [dreg:$0x2];
	[bflag:$0x3] =	sbarrier.arrive $0xFFFF;
	s2 =	simm.s32 @!p0 $0x1C01  }
0x77: {  	[timem:s3], [sflag:s2] =	dma.local @!p0 [hbm:s0], s1  }
0x78: {  	s0 =	simm.s32 @!p0 $0x1  }
0x79: {  	_ =	swait.ge @!p0 [sflag:s0], s1  }
0x7a: {  	s1 =	ssub.s32 @!p0 $0x0, s1;
	[sflag:s0] =	ssyncset.done @!p0 $0x0  }
0x7b: {  	[sflag:s0] =	ssyncadd.s32 @!p0 s1  }
0x7c: {  	[bflag:$0x3] =	sbarrier.arrive $0xFFFF  }
0x7d: {  	_ =	shalt  }

</sc_bundles>
